<compile_context>
chip_gen: v7x
topology: tpu7x:2x2x1
jax: 0.10.2.dev20260603
libtpu: 0.0.44.dev20260713+nightly
codegen_flags: <defaults>
</compile_context>

<pallas_src>
import jax
import jax.numpy as jnp
from jax import lax
from jax.experimental import pallas as pl
from jax.experimental.pallas import tpu as pltpu
from jax.experimental.pallas import tpu_sc as plsc

DIMS = 64
LANE = 128


def _build(batch: int, hist: int, nc: int, ns: int):
    nw = nc * ns
    bw = batch // nw
    k = bw // LANE
    nblk = hist
    nhalf = nblk // 2

    mesh = plsc.VectorSubcoreMesh(core_axis_name="c", subcore_axis_name="s")

    @jax.jit
    def run(fnums, table):
        fnums_t = jnp.transpose(fnums)
        table_t = lax.optimization_barrier(jnp.transpose(table))
        table_rm = jnp.transpose(table_t)

        @pl.kernel(
            out_type=jax.ShapeDtypeStruct((hist, batch, 2 * DIMS), jnp.float32),
            mesh=mesh,
            scratch_types=[
                pltpu.VMEM((2, bw), jnp.int32),
                pltpu.VMEM((2, bw, DIMS), jnp.float32),
                pltpu.SemaphoreType.DMA((2,)),
                pltpu.SemaphoreType.DMA((2,)),
            ],
            compiler_params=pltpu.CompilerParams(use_tc_tiling_on_sc=False),
        )
        def kern(fnums_hbm, table_hbm, out_hbm, idx_v, rows_v, gsem, osem):
            wid = lax.axis_index("s") * nc + lax.axis_index("c")
            b0 = wid * bw

            def gather_descs(s, make):
                for j in range(k):
                    make(
                        table_hbm.at[idx_v.at[s].at[pl.ds(j * LANE, LANE)]],
                        rows_v.at[s].at[pl.ds(j * LANE, LANE)],
                        gsem.at[s],
                    )

            def stage_and_fire(g, s):
                pltpu.sync_copy(fnums_hbm.at[g, pl.ds(b0, bw)], idx_v.at[s])
                gather_descs(s, pltpu.async_copy)

            def wait_gathers(s):
                gather_descs(
                    s, lambda a, b, c: pltpu.make_async_copy(a, b, c).wait())

            def start_out(g, s):
                pltpu.async_copy(
                    rows_v.at[s],
                    out_hbm.at[g, pl.ds(b0, bw), pl.ds(0, DIMS)],
                    osem.at[s],
                )

            def wait_out(g, s):
                pltpu.make_async_copy(
                    rows_v.at[s],
                    out_hbm.at[g, pl.ds(b0, bw), pl.ds(0, DIMS)],
                    osem.at[s],
                ).wait()

            stage_and_fire(0, 0)

            def body(i, carry):
                g0 = 2 * i
                g1 = g0 + 1

                @pl.when(i > 0)
                def _():
                    wait_out(g1 - 2, 1)
                stage_and_fire(g1, 1)
                wait_gathers(0)
                start_out(g0, 0)

                @pl.when(i < nhalf - 1)
                def _():
                    wait_out(g0, 0)
                    stage_and_fire(g0 + 2, 0)
                wait_gathers(1)
                start_out(g1, 1)
                return carry

            lax.fori_loop(0, nhalf, body, 0)
            wait_out(nblk - 2, 0)
            wait_out(nblk - 1, 1)

        padded = kern(fnums_t, table_rm)
        return jnp.transpose(padded, (1, 0, 2))[:, :, :DIMS]

    return run


def kernel(fnums, table):
    batch, hist = fnums.shape
    info = plsc.get_sparse_core_info()
    run = _build(batch, hist, info.num_cores, info.num_subcores)
    return run(fnums, table)

# --- scband reference (transcript-rebuilt; emitter-appended) ---
"""Pipeline reference for scband-encoder-76656576299645 (READ-ONLY COPY).

The authoritative reference and input builder live on the scoring server;
editing this copy changes nothing except your own understanding.
"""

import jax, jax.numpy as jnp
import numpy as np

VOCAB = 1000000
DIMS = 64
BATCH = 16384
HIST = 200


def setup_inputs(seed: int = 0) -> dict:
    key = jax.random.key(seed)
    k1, k2 = jax.random.split(key)
    fnums = jax.random.randint(k1, (BATCH, HIST), 0, VOCAB, dtype=jnp.int64 if jax.config.jax_enable_x64 else jnp.int32)
    table = jax.random.normal(k2, (VOCAB, DIMS), dtype=jnp.float32)
    return {"fnums": fnums, "table": table}


def reference(fnums, table):
    # Encoder.sequence: embedding lookup over source-word ids
    return jnp.take(table, fnums, axis=0)

if __name__ == "__main__":
    import jax
    _d = setup_inputs()
    print(jax.jit(kernel)(*tuple(_d.values())))

</pallas_src>

<mosaic_0001>
#map = affine_map<(d0, d1) -> (0, 0)>
#map1 = affine_map<(d0, d1) -> (0, 0, 0)>
module attributes {stable_mosaic.version = 14 : i64} {
  func.func @kern(%arg0: i32, %arg1: i32, %arg2: memref<200x16384xi32, #tpu.memory_space<hbm>>, %arg3: memref<1000000x64xf32, #tpu.memory_space<hbm>>, %arg4: memref<200x16384x128xf32, #tpu.memory_space<hbm>>, %arg5: memref<2x512xi32, #tpu.memory_space<vmem>>, %arg6: memref<2x512x64xf32, #tpu.memory_space<vmem>>, %arg7: memref<2x!tpu.dma_semaphore, #tpu.memory_space<semaphore_mem>>, %arg8: memref<2x!tpu.dma_semaphore, #tpu.memory_space<semaphore_mem>>) attributes {dimension_semantics = [#tpu.dimension_semantics<core_parallel>, #tpu.dimension_semantics<subcore_parallel>], iteration_bounds = array<i64: 2, 16>, scalar_prefetch = 0 : i64, scratch_operands = 4 : i64, tpu.core_type = #tpu.core_type<sc_vector_subcore>, window_params = [{transform_indices = #map}, {transform_indices = #map}, {transform_indices = #map1}]} {
    %mul3A = arith.constant 2 : i32
    %mul3A_0 = arith.muli %arg1, %mul3A : i32
    %add3A = arith.addi %mul3A_0, %arg0 : i32
    %mul3A_1 = arith.constant 512 : i32
    %mul3A_2 = arith.muli %add3A, %mul3A_1 : i32
    %run_scoped3A = arith.constant 0 : i32
    %run_scoped3A_3 = arith.constant 0 : i32
    "tpu.region"() ({
      %run_scoped3A_125 = tpu.sem_alloc : memref<!tpu.dma_semaphore, #tpu.memory_space<semaphore_mem>>
      %dma_start3A_126 = arith.constant 0 : i32
      %dma_start3A_127 = tpu.memref_slice %arg5[%run_scoped3A_3, %dma_start3A_126] : memref<2x512xi32, #tpu.memory_space<vmem>> -> memref<1x512xi32, #tpu.memory_space<vmem>>
      %dma_start3A_128 = tpu.memref_squeeze %dma_start3A_127 : memref<1x512xi32, #tpu.memory_space<vmem>> -> memref<512xi32, #tpu.memory_space<vmem>>
      %dma_start3A_129 = tpu.memref_slice %arg2[%run_scoped3A, %mul3A_2] : memref<200x16384xi32, #tpu.memory_space<hbm>> -> memref<1x512xi32, #tpu.memory_space<hbm>>
      %dma_start3A_130 = tpu.memref_squeeze %dma_start3A_129 : memref<1x512xi32, #tpu.memory_space<hbm>> -> memref<512xi32, #tpu.memory_space<hbm>>
      %dma_start3A_131 = arith.constant 0 : i32
      %dma_start3A_132 = tpu.memref_slice %arg5[%run_scoped3A_3, %dma_start3A_131] : memref<2x512xi32, #tpu.memory_space<vmem>> -> memref<1x512xi32, #tpu.memory_space<vmem>>
      %dma_start3A_133 = tpu.memref_squeeze %dma_start3A_132 : memref<1x512xi32, #tpu.memory_space<vmem>> -> memref<512xi32, #tpu.memory_space<vmem>>
      %dma_start3A_134 = tpu.memref_slice %arg2[%run_scoped3A, %mul3A_2] : memref<200x16384xi32, #tpu.memory_space<hbm>> -> memref<1x512xi32, #tpu.memory_space<hbm>>
      %dma_start3A_135 = tpu.memref_squeeze %dma_start3A_134 : memref<1x512xi32, #tpu.memory_space<hbm>> -> memref<512xi32, #tpu.memory_space<hbm>>
      tpu.enqueue_dma source(%dma_start3A_135 : memref<512xi32, #tpu.memory_space<hbm>>) target(%dma_start3A_133 : memref<512xi32, #tpu.memory_space<vmem>>) target_semaphore(%run_scoped3A_125 : memref<!tpu.dma_semaphore, #tpu.memory_space<semaphore_mem>>)
      %dma_wait3A_136 = arith.constant 0 : i32
      %dma_wait3A_137 = tpu.memref_slice %arg5[%run_scoped3A_3, %dma_wait3A_136] : memref<2x512xi32, #tpu.memory_space<vmem>> -> memref<1x512xi32, #tpu.memory_space<vmem>>
      %dma_wait3A_138 = tpu.memref_squeeze %dma_wait3A_137 : memref<1x512xi32, #tpu.memory_space<vmem>> -> memref<512xi32, #tpu.memory_space<vmem>>
      %dma_wait3A_139 = tpu.memref_slice %arg2[%run_scoped3A, %mul3A_2] : memref<200x16384xi32, #tpu.memory_space<hbm>> -> memref<1x512xi32, #tpu.memory_space<hbm>>
      %dma_wait3A_140 = tpu.memref_squeeze %dma_wait3A_139 : memref<1x512xi32, #tpu.memory_space<hbm>> -> memref<512xi32, #tpu.memory_space<hbm>>
      %dma_wait3A_141 = arith.constant 0 : i32
      %dma_wait3A_142 = tpu.memref_slice %arg5[%run_scoped3A_3, %dma_wait3A_141] : memref<2x512xi32, #tpu.memory_space<vmem>> -> memref<1x512xi32, #tpu.memory_space<vmem>>
      %dma_wait3A_143 = tpu.memref_squeeze %dma_wait3A_142 : memref<1x512xi32, #tpu.memory_space<vmem>> -> memref<512xi32, #tpu.memory_space<vmem>>
      %dma_wait3A_144 = tpu.memref_slice %arg2[%run_scoped3A, %mul3A_2] : memref<200x16384xi32, #tpu.memory_space<hbm>> -> memref<1x512xi32, #tpu.memory_space<hbm>>
      %dma_wait3A_145 = tpu.memref_squeeze %dma_wait3A_144 : memref<1x512xi32, #tpu.memory_space<hbm>> -> memref<512xi32, #tpu.memory_space<hbm>>
      tpu.wait_dma2 semaphore(%run_scoped3A_125 : memref<!tpu.dma_semaphore, #tpu.memory_space<semaphore_mem>>) src(%dma_wait3A_145 : memref<512xi32, #tpu.memory_space<hbm>>) dst(%dma_wait3A_143 : memref<512xi32, #tpu.memory_space<vmem>>)
      tpu.yield
    }) : () -> ()
    %dma_start3A = arith.constant 0 : i32
    %dma_start3A_4 = arith.constant 0 : i32
    %dma_start3A_5 = arith.constant 0 : i32
    %dma_start3A_6 = arith.constant 0 : i32
    %dma_start3A_7 = arith.constant 0 : i32
    %dma_start3A_8 = tpu.memref_slice %arg6[%dma_start3A_4, %dma_start3A_6, %dma_start3A_7] : memref<2x512x64xf32, #tpu.memory_space<vmem>> -> memref<1x512x64xf32, #tpu.memory_space<vmem>>
    %dma_start3A_9 = tpu.memref_squeeze %dma_start3A_8 : memref<1x512x64xf32, #tpu.memory_space<vmem>> -> memref<512x64xf32, #tpu.memory_space<vmem>>
    %dma_start3A_10 = arith.constant 0 : i32
    %dma_start3A_11 = arith.constant 0 : i32
    %dma_start3A_12 = tpu.memref_slice %dma_start3A_9[%dma_start3A_10, %dma_start3A_11] : memref<512x64xf32, #tpu.memory_space<vmem>> -> memref<128x64xf32, #tpu.memory_space<vmem>>
    %dma_start3A_13 = arith.constant 0 : i32
    %dma_start3A_14 = tpu.memref_slice %arg5[%dma_start3A, %dma_start3A_13] : memref<2x512xi32, #tpu.memory_space<vmem>> -> memref<1x512xi32, #tpu.memory_space<vmem>>
    %dma_start3A_15 = tpu.memref_squeeze %dma_start3A_14 : memref<1x512xi32, #tpu.memory_space<vmem>> -> memref<512xi32, #tpu.memory_space<vmem>>
    %dma_start3A_16 = arith.constant 0 : i32
    %dma_start3A_17 = tpu.memref_slice %dma_start3A_15[%dma_start3A_16] : memref<512xi32, #tpu.memory_space<vmem>> -> memref<128xi32, #tpu.memory_space<vmem>>
    %dma_start3A_18 = arith.constant 0 : i32
    %dma_start3A_19 = arith.constant 0 : i32
    %dma_start3A_20 = tpu.memref_slice %arg3[%dma_start3A_18, %dma_start3A_19] : memref<1000000x64xf32, #tpu.memory_space<hbm>> -> memref<1000000x64xf32, #tpu.memory_space<hbm>>
    %dma_start3A_21 = tpu.memref_slice %arg7[%dma_start3A_5] : memref<2x!tpu.dma_semaphore, #tpu.memory_space<semaphore_mem>> -> memref<1x!tpu.dma_semaphore, #tpu.memory_space<semaphore_mem>>
    %dma_start3A_22 = tpu.memref_squeeze %dma_start3A_21 : memref<1x!tpu.dma_semaphore, #tpu.memory_space<semaphore_mem>> -> memref<!tpu.dma_semaphore, #tpu.memory_space<semaphore_mem>>
    tpu.enqueue_indirect_dma source(%dma_start3A_20 : memref<1000000x64xf32, #tpu.memory_space<hbm>>) target(%dma_start3A_12 : memref<128x64xf32, #tpu.memory_space<vmem>>) offsets(%dma_start3A_17 : memref<128xi32, #tpu.memory_space<vmem>>) semaphore(%dma_start3A_22 : memref<!tpu.dma_semaphore, #tpu.memory_space<semaphore_mem>>)
    %dma_start3A_23 = arith.constant 0 : i32
    %dma_start3A_24 = arith.constant 0 : i32
    %dma_start3A_25 = arith.constant 0 : i32
    %dma_start3A_26 = arith.constant 0 : i32
    %dma_start3A_27 = arith.constant 0 : i32
    %dma_start3A_28 = tpu.memref_slice %arg6[%dma_start3A_24, %dma_start3A_26, %dma_start3A_27] : memref<2x512x64xf32, #tpu.memory_space<vmem>> -> memref<1x512x64xf32, #tpu.memory_space<vmem>>
    %dma_start3A_29 = tpu.memref_squeeze %dma_start3A_28 : memref<1x512x64xf32, #tpu.memory_space<vmem>> -> memref<512x64xf32, #tpu.memory_space<vmem>>
    %dma_start3A_30 = arith.constant 128 : i32
    %dma_start3A_31 = arith.constant 0 : i32
    %dma_start3A_32 = tpu.memref_slice %dma_start3A_29[%dma_start3A_30, %dma_start3A_31] : memref<512x64xf32, #tpu.memory_space<vmem>> -> memref<128x64xf32, #tpu.memory_space<vmem>>
    %dma_start3A_33 = arith.constant 0 : i32
    %dma_start3A_34 = tpu.memref_slice %arg5[%dma_start3A_23, %dma_start3A_33] : memref<2x512xi32, #tpu.memory_space<vmem>> -> memref<1x512xi32, #tpu.memory_space<vmem>>
    %dma_start3A_35 = tpu.memref_squeeze %dma_start3A_34 : memref<1x512xi32, #tpu.memory_space<vmem>> -> memref<512xi32, #tpu.memory_space<vmem>>
    %dma_start3A_36 = arith.constant 128 : i32
    %dma_start3A_37 = tpu.memref_slice %dma_start3A_35[%dma_start3A_36] : memref<512xi32, #tpu.memory_space<vmem>> -> memref<128xi32, #tpu.memory_space<vmem>>
    %dma_start3A_38 = arith.constant 0 : i32
    %dma_start3A_39 = arith.constant 0 : i32
    %dma_start3A_40 = tpu.memref_slice %arg3[%dma_start3A_38, %dma_start3A_39] : memref<1000000x64xf32, #tpu.memory_space<hbm>> -> memref<1000000x64xf32, #tpu.memory_space<hbm>>
    %dma_start3A_41 = tpu.memref_slice %arg7[%dma_start3A_25] : memref<2x!tpu.dma_semaphore, #tpu.memory_space<semaphore_mem>> -> memref<1x!tpu.dma_semaphore, #tpu.memory_space<semaphore_mem>>
    %dma_start3A_42 = tpu.memref_squeeze %dma_start3A_41 : memref<1x!tpu.dma_semaphore, #tpu.memory_space<semaphore_mem>> -> memref<!tpu.dma_semaphore, #tpu.memory_space<semaphore_mem>>
    tpu.enqueue_indirect_dma source(%dma_start3A_40 : memref<1000000x64xf32, #tpu.memory_space<hbm>>) target(%dma_start3A_32 : memref<128x64xf32, #tpu.memory_space<vmem>>) offsets(%dma_start3A_37 : memref<128xi32, #tpu.memory_space<vmem>>) semaphore(%dma_start3A_42 : memref<!tpu.dma_semaphore, #tpu.memory_space<semaphore_mem>>)
    %dma_start3A_43 = arith.constant 0 : i32
    %dma_start3A_44 = arith.constant 0 : i32
    %dma_start3A_45 = arith.constant 0 : i32
    %dma_start3A_46 = arith.constant 0 : i32
    %dma_start3A_47 = arith.constant 0 : i32
    %dma_start3A_48 = tpu.memref_slice %arg6[%dma_start3A_44, %dma_start3A_46, %dma_start3A_47] : memref<2x512x64xf32, #tpu.memory_space<vmem>> -> memref<1x512x64xf32, #tpu.memory_space<vmem>>
    %dma_start3A_49 = tpu.memref_squeeze %dma_start3A_48 : memref<1x512x64xf32, #tpu.memory_space<vmem>> -> memref<512x64xf32, #tpu.memory_space<vmem>>
    %dma_start3A_50 = arith.constant 256 : i32
    %dma_start3A_51 = arith.constant 0 : i32
    %dma_start3A_52 = tpu.memref_slice %dma_start3A_49[%dma_start3A_50, %dma_start3A_51] : memref<512x64xf32, #tpu.memory_space<vmem>> -> memref<128x64xf32, #tpu.memory_space<vmem>>
    %dma_start3A_53 = arith.constant 0 : i32
    %dma_start3A_54 = tpu.memref_slice %arg5[%dma_start3A_43, %dma_start3A_53] : memref<2x512xi32, #tpu.memory_space<vmem>> -> memref<1x512xi32, #tpu.memory_space<vmem>>
    %dma_start3A_55 = tpu.memref_squeeze %dma_start3A_54 : memref<1x512xi32, #tpu.memory_space<vmem>> -> memref<512xi32, #tpu.memory_space<vmem>>
    %dma_start3A_56 = arith.constant 256 : i32
    %dma_start3A_57 = tpu.memref_slice %dma_start3A_55[%dma_start3A_56] : memref<512xi32, #tpu.memory_space<vmem>> -> memref<128xi32, #tpu.memory_space<vmem>>
    %dma_start3A_58 = arith.constant 0 : i32
    %dma_start3A_59 = arith.constant 0 : i32
    %dma_start3A_60 = tpu.memref_slice %arg3[%dma_start3A_58, %dma_start3A_59] : memref<1000000x64xf32, #tpu.memory_space<hbm>> -> memref<1000000x64xf32, #tpu.memory_space<hbm>>
    %dma_start3A_61 = tpu.memref_slice %arg7[%dma_start3A_45] : memref<2x!tpu.dma_semaphore, #tpu.memory_space<semaphore_mem>> -> memref<1x!tpu.dma_semaphore, #tpu.memory_space<semaphore_mem>>
    %dma_start3A_62 = tpu.memref_squeeze %dma_start3A_61 : memref<1x!tpu.dma_semaphore, #tpu.memory_space<semaphore_mem>> -> memref<!tpu.dma_semaphore, #tpu.memory_space<semaphore_mem>>
    tpu.enqueue_indirect_dma source(%dma_start3A_60 : memref<1000000x64xf32, #tpu.memory_space<hbm>>) target(%dma_start3A_52 : memref<128x64xf32, #tpu.memory_space<vmem>>) offsets(%dma_start3A_57 : memref<128xi32, #tpu.memory_space<vmem>>) semaphore(%dma_start3A_62 : memref<!tpu.dma_semaphore, #tpu.memory_space<semaphore_mem>>)
    %dma_start3A_63 = arith.constant 0 : i32
    %dma_start3A_64 = arith.constant 0 : i32
    %dma_start3A_65 = arith.constant 0 : i32
    %dma_start3A_66 = arith.constant 0 : i32
    %dma_start3A_67 = arith.constant 0 : i32
    %dma_start3A_68 = tpu.memref_slice %arg6[%dma_start3A_64, %dma_start3A_66, %dma_start3A_67] : memref<2x512x64xf32, #tpu.memory_space<vmem>> -> memref<1x512x64xf32, #tpu.memory_space<vmem>>
    %dma_start3A_69 = tpu.memref_squeeze %dma_start3A_68 : memref<1x512x64xf32, #tpu.memory_space<vmem>> -> memref<512x64xf32, #tpu.memory_space<vmem>>
    %dma_start3A_70 = arith.constant 384 : i32
    %dma_start3A_71 = arith.constant 0 : i32
    %dma_start3A_72 = tpu.memref_slice %dma_start3A_69[%dma_start3A_70, %dma_start3A_71] : memref<512x64xf32, #tpu.memory_space<vmem>> -> memref<128x64xf32, #tpu.memory_space<vmem>>
    %dma_start3A_73 = arith.constant 0 : i32
    %dma_start3A_74 = tpu.memref_slice %arg5[%dma_start3A_63, %dma_start3A_73] : memref<2x512xi32, #tpu.memory_space<vmem>> -> memref<1x512xi32, #tpu.memory_space<vmem>>
    %dma_start3A_75 = tpu.memref_squeeze %dma_start3A_74 : memref<1x512xi32, #tpu.memory_space<vmem>> -> memref<512xi32, #tpu.memory_space<vmem>>
    %dma_start3A_76 = arith.constant 384 : i32
    %dma_start3A_77 = tpu.memref_slice %dma_start3A_75[%dma_start3A_76] : memref<512xi32, #tpu.memory_space<vmem>> -> memref<128xi32, #tpu.memory_space<vmem>>
    %dma_start3A_78 = arith.constant 0 : i32
    %dma_start3A_79 = arith.constant 0 : i32
    %dma_start3A_80 = tpu.memref_slice %arg3[%dma_start3A_78, %dma_start3A_79] : memref<1000000x64xf32, #tpu.memory_space<hbm>> -> memref<1000000x64xf32, #tpu.memory_space<hbm>>
    %dma_start3A_81 = tpu.memref_slice %arg7[%dma_start3A_65] : memref<2x!tpu.dma_semaphore, #tpu.memory_space<semaphore_mem>> -> memref<1x!tpu.dma_semaphore, #tpu.memory_space<semaphore_mem>>
    %dma_start3A_82 = tpu.memref_squeeze %dma_start3A_81 : memref<1x!tpu.dma_semaphore, #tpu.memory_space<semaphore_mem>> -> memref<!tpu.dma_semaphore, #tpu.memory_space<semaphore_mem>>
    tpu.enqueue_indirect_dma source(%dma_start3A_80 : memref<1000000x64xf32, #tpu.memory_space<hbm>>) target(%dma_start3A_72 : memref<128x64xf32, #tpu.memory_space<vmem>>) offsets(%dma_start3A_77 : memref<128xi32, #tpu.memory_space<vmem>>) semaphore(%dma_start3A_82 : memref<!tpu.dma_semaphore, #tpu.memory_space<semaphore_mem>>)
    %scan3A = arith.constant 0 : i32
    %scan3A_83 = arith.constant 0 : i32
    %scan3A_84 = arith.constant 100 : i32
    %scan3A_85 = arith.addi %scan3A_83, %scan3A_84 : i32
    %scan3A_86 = arith.constant 1 : i32
    scf.for %scan3A_125 = %scan3A_83 to %scan3A_85 step %scan3A_86  : i32 {
      %mul3A_126 = arith.constant 2 : i32
      %mul3A_127 = arith.muli %mul3A_126, %scan3A_125 : i32
      %add3A_128 = arith.constant 1 : i32
      %add3A_129 = arith.addi %mul3A_127, %add3A_128 : i32
      %gt3A = arith.constant 0 : i32
      %gt3A_130 = arith.cmpi sgt, %scan3A_125, %gt3A : i32
      %convert_element_type3A = arith.extui %gt3A_130 : i1 to i32
      %cond3A = arith.constant 0 : i32
      %cond3A_131 = arith.cmpi ne, %convert_element_type3A, %cond3A : i32
      scf.if %cond3A_131 {
        %sub3A = arith.constant 2 : i32
        %sub3A_413 = arith.subi %add3A_129, %sub3A : i32
        %dma_wait3A_414 = arith.constant 1 : i32
        %dma_wait3A_415 = arith.constant 1 : i32
        %dma_wait3A_416 = arith.constant 0 : i32
        %dma_wait3A_417 = arith.constant 0 : i32
        %dma_wait3A_418 = tpu.memref_slice %arg6[%dma_wait3A_414, %dma_wait3A_416, %dma_wait3A_417] : memref<2x512x64xf32, #tpu.memory_space<vmem>> -> memref<1x512x64xf32, #tpu.memory_space<vmem>>
        %dma_wait3A_419 = tpu.memref_squeeze %dma_wait3A_418 : memref<1x512x64xf32, #tpu.memory_space<vmem>> -> memref<512x64xf32, #tpu.memory_space<vmem>>
        %dma_wait3A_420 = arith.constant 0 : i32
        %dma_wait3A_421 = tpu.memref_slice %arg4[%sub3A_413, %mul3A_2, %dma_wait3A_420] : memref<200x16384x128xf32, #tpu.memory_space<hbm>> -> memref<1x512x64xf32, #tpu.memory_space<hbm>>
        %dma_wait3A_422 = tpu.memref_squeeze %dma_wait3A_421 : memref<1x512x64xf32, #tpu.memory_space<hbm>> -> memref<512x64xf32, #tpu.memory_space<hbm>>
        %dma_wait3A_423 = tpu.memref_slice %arg8[%dma_wait3A_415] : memref<2x!tpu.dma_semaphore, #tpu.memory_space<semaphore_mem>> -> memref<1x!tpu.dma_semaphore, #tpu.memory_space<semaphore_mem>>
        %dma_wait3A_424 = tpu.memref_squeeze %dma_wait3A_423 : memref<1x!tpu.dma_semaphore, #tpu.memory_space<semaphore_mem>> -> memref<!tpu.dma_semaphore, #tpu.memory_space<semaphore_mem>>
        %dma_wait3A_425 = arith.constant 0 : i32
        %dma_wait3A_426 = tpu.memref_slice %arg4[%sub3A_413, %mul3A_2, %dma_wait3A_425] : memref<200x16384x128xf32, #tpu.memory_space<hbm>> -> memref<1x512x64xf32, #tpu.memory_space<hbm>>
        %dma_wait3A_427 = tpu.memref_squeeze %dma_wait3A_426 : memref<1x512x64xf32, #tpu.memory_space<hbm>> -> memref<512x64xf32, #tpu.memory_space<hbm>>
        %dma_wait3A_428 = arith.constant 0 : i32
        %dma_wait3A_429 = arith.constant 0 : i32
        %dma_wait3A_430 = tpu.memref_slice %arg6[%dma_wait3A_414, %dma_wait3A_428, %dma_wait3A_429] : memref<2x512x64xf32, #tpu.memory_space<vmem>> -> memref<1x512x64xf32, #tpu.memory_space<vmem>>
        %dma_wait3A_431 = tpu.memref_squeeze %dma_wait3A_430 : memref<1x512x64xf32, #tpu.memory_space<vmem>> -> memref<512x64xf32, #tpu.memory_space<vmem>>
        tpu.wait_dma2 semaphore(%dma_wait3A_424 : memref<!tpu.dma_semaphore, #tpu.memory_space<semaphore_mem>>) src(%dma_wait3A_431 : memref<512x64xf32, #tpu.memory_space<vmem>>) dst(%dma_wait3A_427 : memref<512x64xf32, #tpu.memory_space<hbm>>)
      } else {
      }
      %run_scoped3A_132 = arith.constant 1 : i32
      "tpu.region"() ({
        %run_scoped3A_413 = tpu.sem_alloc : memref<!tpu.dma_semaphore, #tpu.memory_space<semaphore_mem>>
        %dma_start3A_414 = arith.constant 0 : i32
        %dma_start3A_415 = tpu.memref_slice %arg5[%run_scoped3A_132, %dma_start3A_414] : memref<2x512xi32, #tpu.memory_space<vmem>> -> memref<1x512xi32, #tpu.memory_space<vmem>>
        %dma_start3A_416 = tpu.memref_squeeze %dma_start3A_415 : memref<1x512xi32, #tpu.memory_space<vmem>> -> memref<512xi32, #tpu.memory_space<vmem>>
        %dma_start3A_417 = tpu.memref_slice %arg2[%add3A_129, %mul3A_2] : memref<200x16384xi32, #tpu.memory_space<hbm>> -> memref<1x512xi32, #tpu.memory_space<hbm>>
        %dma_start3A_418 = tpu.memref_squeeze %dma_start3A_417 : memref<1x512xi32, #tpu.memory_space<hbm>> -> memref<512xi32, #tpu.memory_space<hbm>>
        %dma_start3A_419 = arith.constant 0 : i32
        %dma_start3A_420 = tpu.memref_slice %arg5[%run_scoped3A_132, %dma_start3A_419] : memref<2x512xi32, #tpu.memory_space<vmem>> -> memref<1x512xi32, #tpu.memory_space<vmem>>
        %dma_start3A_421 = tpu.memref_squeeze %dma_start3A_420 : memref<1x512xi32, #tpu.memory_space<vmem>> -> memref<512xi32, #tpu.memory_space<vmem>>
        %dma_start3A_422 = tpu.memref_slice %arg2[%add3A_129, %mul3A_2] : memref<200x16384xi32, #tpu.memory_space<hbm>> -> memref<1x512xi32, #tpu.memory_space<hbm>>
        %dma_start3A_423 = tpu.memref_squeeze %dma_start3A_422 : memref<1x512xi32, #tpu.memory_space<hbm>> -> memref<512xi32, #tpu.memory_space<hbm>>
        tpu.enqueue_dma source(%dma_start3A_423 : memref<512xi32, #tpu.memory_space<hbm>>) target(%dma_start3A_421 : memref<512xi32, #tpu.memory_space<vmem>>) target_semaphore(%run_scoped3A_413 : memref<!tpu.dma_semaphore, #tpu.memory_space<semaphore_mem>>)
        %dma_wait3A_424 = arith.constant 0 : i32
        %dma_wait3A_425 = tpu.memref_slice %arg5[%run_scoped3A_132, %dma_wait3A_424] : memref<2x512xi32, #tpu.memory_space<vmem>> -> memref<1x512xi32, #tpu.memory_space<vmem>>
        %dma_wait3A_426 = tpu.memref_squeeze %dma_wait3A_425 : memref<1x512xi32, #tpu.memory_space<vmem>> -> memref<512xi32, #tpu.memory_space<vmem>>
        %dma_wait3A_427 = tpu.memref_slice %arg2[%add3A_129, %mul3A_2] : memref<200x16384xi32, #tpu.memory_space<hbm>> -> memref<1x512xi32, #tpu.memory_space<hbm>>
        %dma_wait3A_428 = tpu.memref_squeeze %dma_wait3A_427 : memref<1x512xi32, #tpu.memory_space<hbm>> -> memref<512xi32, #tpu.memory_space<hbm>>
        %dma_wait3A_429 = arith.constant 0 : i32
        %dma_wait3A_430 = tpu.memref_slice %arg5[%run_scoped3A_132, %dma_wait3A_429] : memref<2x512xi32, #tpu.memory_space<vmem>> -> memref<1x512xi32, #tpu.memory_space<vmem>>
        %dma_wait3A_431 = tpu.memref_squeeze %dma_wait3A_430 : memref<1x512xi32, #tpu.memory_space<vmem>> -> memref<512xi32, #tpu.memory_space<vmem>>
        %dma_wait3A_432 = tpu.memref_slice %arg2[%add3A_129, %mul3A_2] : memref<200x16384xi32, #tpu.memory_space<hbm>> -> memref<1x512xi32, #tpu.memory_space<hbm>>
        %dma_wait3A_433 = tpu.memref_squeeze %dma_wait3A_432 : memref<1x512xi32, #tpu.memory_space<hbm>> -> memref<512xi32, #tpu.memory_space<hbm>>
        tpu.wait_dma2 semaphore(%run_scoped3A_413 : memref<!tpu.dma_semaphore, #tpu.memory_space<semaphore_mem>>) src(%dma_wait3A_433 : memref<512xi32, #tpu.memory_space<hbm>>) dst(%dma_wait3A_431 : memref<512xi32, #tpu.memory_space<vmem>>)
        tpu.yield
      }) : () -> ()
      %dma_start3A_133 = arith.constant 1 : i32
      %dma_start3A_134 = arith.constant 1 : i32
      %dma_start3A_135 = arith.constant 1 : i32
      %dma_start3A_136 = arith.constant 0 : i32
      %dma_start3A_137 = arith.constant 0 : i32
      %dma_start3A_138 = tpu.memref_slice %arg6[%dma_start3A_134, %dma_start3A_136, %dma_start3A_137] : memref<2x512x64xf32, #tpu.memory_space<vmem>> -> memref<1x512x64xf32, #tpu.memory_space<vmem>>
      %dma_start3A_139 = tpu.memref_squeeze %dma_start3A_138 : memref<1x512x64xf32, #tpu.memory_space<vmem>> -> memref<512x64xf32, #tpu.memory_space<vmem>>
      %dma_start3A_140 = arith.constant 0 : i32
      %dma_start3A_141 = arith.constant 0 : i32
      %dma_start3A_142 = tpu.memref_slice %dma_start3A_139[%dma_start3A_140, %dma_start3A_141] : memref<512x64xf32, #tpu.memory_space<vmem>> -> memref<128x64xf32, #tpu.memory_space<vmem>>
      %dma_start3A_143 = arith.constant 0 : i32
      %dma_start3A_144 = tpu.memref_slice %arg5[%dma_start3A_133, %dma_start3A_143] : memref<2x512xi32, #tpu.memory_space<vmem>> -> memref<1x512xi32, #tpu.memory_space<vmem>>
      %dma_start3A_145 = tpu.memref_squeeze %dma_start3A_144 : memref<1x512xi32, #tpu.memory_space<vmem>> -> memref<512xi32, #tpu.memory_space<vmem>>
      %dma_start3A_146 = arith.constant 0 : i32
      %dma_start3A_147 = tpu.memref_slice %dma_start3A_145[%dma_start3A_146] : memref<512xi32, #tpu.memory_space<vmem>> -> memref<128xi32, #tpu.memory_space<vmem>>
      %dma_start3A_148 = arith.constant 0 : i32
      %dma_start3A_149 = arith.constant 0 : i32
      %dma_start3A_150 = tpu.memref_slice %arg3[%dma_start3A_148, %dma_start3A_149] : memref<1000000x64xf32, #tpu.memory_space<hbm>> -> memref<1000000x64xf32, #tpu.memory_space<hbm>>
      %dma_start3A_151 = tpu.memref_slice %arg7[%dma_start3A_135] : memref<2x!tpu.dma_semaphore, #tpu.memory_space<semaphore_mem>> -> memref<1x!tpu.dma_semaphore, #tpu.memory_space<semaphore_mem>>
      %dma_start3A_152 = tpu.memref_squeeze %dma_start3A_151 : memref<1x!tpu.dma_semaphore, #tpu.memory_space<semaphore_mem>> -> memref<!tpu.dma_semaphore, #tpu.memory_space<semaphore_mem>>
      tpu.enqueue_indirect_dma source(%dma_start3A_150 : memref<1000000x64xf32, #tpu.memory_space<hbm>>) target(%dma_start3A_142 : memref<128x64xf32, #tpu.memory_space<vmem>>) offsets(%dma_start3A_147 : memref<128xi32, #tpu.memory_space<vmem>>) semaphore(%dma_start3A_152 : memref<!tpu.dma_semaphore, #tpu.memory_space<semaphore_mem>>)
      %dma_start3A_153 = arith.constant 1 : i32
      %dma_start3A_154 = arith.constant 1 : i32
      %dma_start3A_155 = arith.constant 1 : i32
      %dma_start3A_156 = arith.constant 0 : i32
      %dma_start3A_157 = arith.constant 0 : i32
      %dma_start3A_158 = tpu.memref_slice %arg6[%dma_start3A_154, %dma_start3A_156, %dma_start3A_157] : memref<2x512x64xf32, #tpu.memory_space<vmem>> -> memref<1x512x64xf32, #tpu.memory_space<vmem>>
      %dma_start3A_159 = tpu.memref_squeeze %dma_start3A_158 : memref<1x512x64xf32, #tpu.memory_space<vmem>> -> memref<512x64xf32, #tpu.memory_space<vmem>>
      %dma_start3A_160 = arith.constant 128 : i32
      %dma_start3A_161 = arith.constant 0 : i32
      %dma_start3A_162 = tpu.memref_slice %dma_start3A_159[%dma_start3A_160, %dma_start3A_161] : memref<512x64xf32, #tpu.memory_space<vmem>> -> memref<128x64xf32, #tpu.memory_space<vmem>>
      %dma_start3A_163 = arith.constant 0 : i32
      %dma_start3A_164 = tpu.memref_slice %arg5[%dma_start3A_153, %dma_start3A_163] : memref<2x512xi32, #tpu.memory_space<vmem>> -> memref<1x512xi32, #tpu.memory_space<vmem>>
      %dma_start3A_165 = tpu.memref_squeeze %dma_start3A_164 : memref<1x512xi32, #tpu.memory_space<vmem>> -> memref<512xi32, #tpu.memory_space<vmem>>
      %dma_start3A_166 = arith.constant 128 : i32
      %dma_start3A_167 = tpu.memref_slice %dma_start3A_165[%dma_start3A_166] : memref<512xi32, #tpu.memory_space<vmem>> -> memref<128xi32, #tpu.memory_space<vmem>>
      %dma_start3A_168 = arith.constant 0 : i32
      %dma_start3A_169 = arith.constant 0 : i32
      %dma_start3A_170 = tpu.memref_slice %arg3[%dma_start3A_168, %dma_start3A_169] : memref<1000000x64xf32, #tpu.memory_space<hbm>> -> memref<1000000x64xf32, #tpu.memory_space<hbm>>
      %dma_start3A_171 = tpu.memref_slice %arg7[%dma_start3A_155] : memref<2x!tpu.dma_semaphore, #tpu.memory_space<semaphore_mem>> -> memref<1x!tpu.dma_semaphore, #tpu.memory_space<semaphore_mem>>
      %dma_start3A_172 = tpu.memref_squeeze %dma_start3A_171 : memref<1x!tpu.dma_semaphore, #tpu.memory_space<semaphore_mem>> -> memref<!tpu.dma_semaphore, #tpu.memory_space<semaphore_mem>>
      tpu.enqueue_indirect_dma source(%dma_start3A_170 : memref<1000000x64xf32, #tpu.memory_space<hbm>>) target(%dma_start3A_162 : memref<128x64xf32, #tpu.memory_space<vmem>>) offsets(%dma_start3A_167 : memref<128xi32, #tpu.memory_space<vmem>>) semaphore(%dma_start3A_172 : memref<!tpu.dma_semaphore, #tpu.memory_space<semaphore_mem>>)
      %dma_start3A_173 = arith.constant 1 : i32
      %dma_start3A_174 = arith.constant 1 : i32
      %dma_start3A_175 = arith.constant 1 : i32
      %dma_start3A_176 = arith.constant 0 : i32
      %dma_start3A_177 = arith.constant 0 : i32
      %dma_start3A_178 = tpu.memref_slice %arg6[%dma_start3A_174, %dma_start3A_176, %dma_start3A_177] : memref<2x512x64xf32, #tpu.memory_space<vmem>> -> memref<1x512x64xf32, #tpu.memory_space<vmem>>
      %dma_start3A_179 = tpu.memref_squeeze %dma_start3A_178 : memref<1x512x64xf32, #tpu.memory_space<vmem>> -> memref<512x64xf32, #tpu.memory_space<vmem>>
      %dma_start3A_180 = arith.constant 256 : i32
      %dma_start3A_181 = arith.constant 0 : i32
      %dma_start3A_182 = tpu.memref_slice %dma_start3A_179[%dma_start3A_180, %dma_start3A_181] : memref<512x64xf32, #tpu.memory_space<vmem>> -> memref<128x64xf32, #tpu.memory_space<vmem>>
      %dma_start3A_183 = arith.constant 0 : i32
      %dma_start3A_184 = tpu.memref_slice %arg5[%dma_start3A_173, %dma_start3A_183] : memref<2x512xi32, #tpu.memory_space<vmem>> -> memref<1x512xi32, #tpu.memory_space<vmem>>
      %dma_start3A_185 = tpu.memref_squeeze %dma_start3A_184 : memref<1x512xi32, #tpu.memory_space<vmem>> -> memref<512xi32, #tpu.memory_space<vmem>>
      %dma_start3A_186 = arith.constant 256 : i32
      %dma_start3A_187 = tpu.memref_slice %dma_start3A_185[%dma_start3A_186] : memref<512xi32, #tpu.memory_space<vmem>> -> memref<128xi32, #tpu.memory_space<vmem>>
      %dma_start3A_188 = arith.constant 0 : i32
      %dma_start3A_189 = arith.constant 0 : i32
      %dma_start3A_190 = tpu.memref_slice %arg3[%dma_start3A_188, %dma_start3A_189] : memref<1000000x64xf32, #tpu.memory_space<hbm>> -> memref<1000000x64xf32, #tpu.memory_space<hbm>>
      %dma_start3A_191 = tpu.memref_slice %arg7[%dma_start3A_175] : memref<2x!tpu.dma_semaphore, #tpu.memory_space<semaphore_mem>> -> memref<1x!tpu.dma_semaphore, #tpu.memory_space<semaphore_mem>>
      %dma_start3A_192 = tpu.memref_squeeze %dma_start3A_191 : memref<1x!tpu.dma_semaphore, #tpu.memory_space<semaphore_mem>> -> memref<!tpu.dma_semaphore, #tpu.memory_space<semaphore_mem>>
      tpu.enqueue_indirect_dma source(%dma_start3A_190 : memref<1000000x64xf32, #tpu.memory_space<hbm>>) target(%dma_start3A_182 : memref<128x64xf32, #tpu.memory_space<vmem>>) offsets(%dma_start3A_187 : memref<128xi32, #tpu.memory_space<vmem>>) semaphore(%dma_start3A_192 : memref<!tpu.dma_semaphore, #tpu.memory_space<semaphore_mem>>)
      %dma_start3A_193 = arith.constant 1 : i32
      %dma_start3A_194 = arith.constant 1 : i32
      %dma_start3A_195 = arith.constant 1 : i32
      %dma_start3A_196 = arith.constant 0 : i32
      %dma_start3A_197 = arith.constant 0 : i32
      %dma_start3A_198 = tpu.memref_slice %arg6[%dma_start3A_194, %dma_start3A_196, %dma_start3A_197] : memref<2x512x64xf32, #tpu.memory_space<vmem>> -> memref<1x512x64xf32, #tpu.memory_space<vmem>>
      %dma_start3A_199 = tpu.memref_squeeze %dma_start3A_198 : memref<1x512x64xf32, #tpu.memory_space<vmem>> -> memref<512x64xf32, #tpu.memory_space<vmem>>
      %dma_start3A_200 = arith.constant 384 : i32
      %dma_start3A_201 = arith.constant 0 : i32
      %dma_start3A_202 = tpu.memref_slice %dma_start3A_199[%dma_start3A_200, %dma_start3A_201] : memref<512x64xf32, #tpu.memory_space<vmem>> -> memref<128x64xf32, #tpu.memory_space<vmem>>
      %dma_start3A_203 = arith.constant 0 : i32
      %dma_start3A_204 = tpu.memref_slice %arg5[%dma_start3A_193, %dma_start3A_203] : memref<2x512xi32, #tpu.memory_space<vmem>> -> memref<1x512xi32, #tpu.memory_space<vmem>>
      %dma_start3A_205 = tpu.memref_squeeze %dma_start3A_204 : memref<1x512xi32, #tpu.memory_space<vmem>> -> memref<512xi32, #tpu.memory_space<vmem>>
      %dma_start3A_206 = arith.constant 384 : i32
      %dma_start3A_207 = tpu.memref_slice %dma_start3A_205[%dma_start3A_206] : memref<512xi32, #tpu.memory_space<vmem>> -> memref<128xi32, #tpu.memory_space<vmem>>
      %dma_start3A_208 = arith.constant 0 : i32
      %dma_start3A_209 = arith.constant 0 : i32
      %dma_start3A_210 = tpu.memref_slice %arg3[%dma_start3A_208, %dma_start3A_209] : memref<1000000x64xf32, #tpu.memory_space<hbm>> -> memref<1000000x64xf32, #tpu.memory_space<hbm>>
      %dma_start3A_211 = tpu.memref_slice %arg7[%dma_start3A_195] : memref<2x!tpu.dma_semaphore, #tpu.memory_space<semaphore_mem>> -> memref<1x!tpu.dma_semaphore, #tpu.memory_space<semaphore_mem>>
      %dma_start3A_212 = tpu.memref_squeeze %dma_start3A_211 : memref<1x!tpu.dma_semaphore, #tpu.memory_space<semaphore_mem>> -> memref<!tpu.dma_semaphore, #tpu.memory_space<semaphore_mem>>
      tpu.enqueue_indirect_dma source(%dma_start3A_210 : memref<1000000x64xf32, #tpu.memory_space<hbm>>) target(%dma_start3A_202 : memref<128x64xf32, #tpu.memory_space<vmem>>) offsets(%dma_start3A_207 : memref<128xi32, #tpu.memory_space<vmem>>) semaphore(%dma_start3A_212 : memref<!tpu.dma_semaphore, #tpu.memory_space<semaphore_mem>>)
      %dma_wait3A_213 = arith.constant 0 : i32
      %dma_wait3A_214 = arith.constant 0 : i32
      %dma_wait3A_215 = arith.constant 0 : i32
      %dma_wait3A_216 = arith.constant 0 : i32
      %dma_wait3A_217 = arith.constant 0 : i32
      %dma_wait3A_218 = tpu.memref_slice %arg6[%dma_wait3A_214, %dma_wait3A_216, %dma_wait3A_217] : memref<2x512x64xf32, #tpu.memory_space<vmem>> -> memref<1x512x64xf32, #tpu.memory_space<vmem>>
      %dma_wait3A_219 = tpu.memref_squeeze %dma_wait3A_218 : memref<1x512x64xf32, #tpu.memory_space<vmem>> -> memref<512x64xf32, #tpu.memory_space<vmem>>
      %dma_wait3A_220 = arith.constant 0 : i32
      %dma_wait3A_221 = arith.constant 0 : i32
      %dma_wait3A_222 = tpu.memref_slice %dma_wait3A_219[%dma_wait3A_220, %dma_wait3A_221] : memref<512x64xf32, #tpu.memory_space<vmem>> -> memref<128x64xf32, #tpu.memory_space<vmem>>
      %dma_wait3A_223 = arith.constant 0 : i32
      %dma_wait3A_224 = tpu.memref_slice %arg5[%dma_wait3A_213, %dma_wait3A_223] : memref<2x512xi32, #tpu.memory_space<vmem>> -> memref<1x512xi32, #tpu.memory_space<vmem>>
      %dma_wait3A_225 = tpu.memref_squeeze %dma_wait3A_224 : memref<1x512xi32, #tpu.memory_space<vmem>> -> memref<512xi32, #tpu.memory_space<vmem>>
      %dma_wait3A_226 = arith.constant 0 : i32
      %dma_wait3A_227 = tpu.memref_slice %dma_wait3A_225[%dma_wait3A_226] : memref<512xi32, #tpu.memory_space<vmem>> -> memref<128xi32, #tpu.memory_space<vmem>>
      %dma_wait3A_228 = arith.constant 0 : i32
      %dma_wait3A_229 = arith.constant 0 : i32
      %dma_wait3A_230 = tpu.memref_slice %arg3[%dma_wait3A_228, %dma_wait3A_229] : memref<1000000x64xf32, #tpu.memory_space<hbm>> -> memref<1000000x64xf32, #tpu.memory_space<hbm>>
      %dma_wait3A_231 = tpu.memref_slice %arg7[%dma_wait3A_215] : memref<2x!tpu.dma_semaphore, #tpu.memory_space<semaphore_mem>> -> memref<1x!tpu.dma_semaphore, #tpu.memory_space<semaphore_mem>>
      %dma_wait3A_232 = tpu.memref_squeeze %dma_wait3A_231 : memref<1x!tpu.dma_semaphore, #tpu.memory_space<semaphore_mem>> -> memref<!tpu.dma_semaphore, #tpu.memory_space<semaphore_mem>>
      tpu.wait_indirect_dma semaphore(%dma_wait3A_232 : memref<!tpu.dma_semaphore, #tpu.memory_space<semaphore_mem>>) src(%dma_wait3A_230 : memref<1000000x64xf32, #tpu.memory_space<hbm>>) dst(%dma_wait3A_222 : memref<128x64xf32, #tpu.memory_space<vmem>>)
      %dma_wait3A_233 = arith.constant 0 : i32
      %dma_wait3A_234 = arith.constant 0 : i32
      %dma_wait3A_235 = arith.constant 0 : i32
      %dma_wait3A_236 = arith.constant 0 : i32
      %dma_wait3A_237 = arith.constant 0 : i32
      %dma_wait3A_238 = tpu.memref_slice %arg6[%dma_wait3A_234, %dma_wait3A_236, %dma_wait3A_237] : memref<2x512x64xf32, #tpu.memory_space<vmem>> -> memref<1x512x64xf32, #tpu.memory_space<vmem>>
      %dma_wait3A_239 = tpu.memref_squeeze %dma_wait3A_238 : memref<1x512x64xf32, #tpu.memory_space<vmem>> -> memref<512x64xf32, #tpu.memory_space<vmem>>
      %dma_wait3A_240 = arith.constant 128 : i32
      %dma_wait3A_241 = arith.constant 0 : i32
      %dma_wait3A_242 = tpu.memref_slice %dma_wait3A_239[%dma_wait3A_240, %dma_wait3A_241] : memref<512x64xf32, #tpu.memory_space<vmem>> -> memref<128x64xf32, #tpu.memory_space<vmem>>
      %dma_wait3A_243 = arith.constant 0 : i32
      %dma_wait3A_244 = tpu.memref_slice %arg5[%dma_wait3A_233, %dma_wait3A_243] : memref<2x512xi32, #tpu.memory_space<vmem>> -> memref<1x512xi32, #tpu.memory_space<vmem>>
      %dma_wait3A_245 = tpu.memref_squeeze %dma_wait3A_244 : memref<1x512xi32, #tpu.memory_space<vmem>> -> memref<512xi32, #tpu.memory_space<vmem>>
      %dma_wait3A_246 = arith.constant 128 : i32
      %dma_wait3A_247 = tpu.memref_slice %dma_wait3A_245[%dma_wait3A_246] : memref<512xi32, #tpu.memory_space<vmem>> -> memref<128xi32, #tpu.memory_space<vmem>>
      %dma_wait3A_248 = arith.constant 0 : i32
      %dma_wait3A_249 = arith.constant 0 : i32
      %dma_wait3A_250 = tpu.memref_slice %arg3[%dma_wait3A_248, %dma_wait3A_249] : memref<1000000x64xf32, #tpu.memory_space<hbm>> -> memref<1000000x64xf32, #tpu.memory_space<hbm>>
      %dma_wait3A_251 = tpu.memref_slice %arg7[%dma_wait3A_235] : memref<2x!tpu.dma_semaphore, #tpu.memory_space<semaphore_mem>> -> memref<1x!tpu.dma_semaphore, #tpu.memory_space<semaphore_mem>>
      %dma_wait3A_252 = tpu.memref_squeeze %dma_wait3A_251 : memref<1x!tpu.dma_semaphore, #tpu.memory_space<semaphore_mem>> -> memref<!tpu.dma_semaphore, #tpu.memory_space<semaphore_mem>>
      tpu.wait_indirect_dma semaphore(%dma_wait3A_252 : memref<!tpu.dma_semaphore, #tpu.memory_space<semaphore_mem>>) src(%dma_wait3A_250 : memref<1000000x64xf32, #tpu.memory_space<hbm>>) dst(%dma_wait3A_242 : memref<128x64xf32, #tpu.memory_space<vmem>>)
      %dma_wait3A_253 = arith.constant 0 : i32
      %dma_wait3A_254 = arith.constant 0 : i32
      %dma_wait3A_255 = arith.constant 0 : i32
      %dma_wait3A_256 = arith.constant 0 : i32
      %dma_wait3A_257 = arith.constant 0 : i32
      %dma_wait3A_258 = tpu.memref_slice %arg6[%dma_wait3A_254, %dma_wait3A_256, %dma_wait3A_257] : memref<2x512x64xf32, #tpu.memory_space<vmem>> -> memref<1x512x64xf32, #tpu.memory_space<vmem>>
      %dma_wait3A_259 = tpu.memref_squeeze %dma_wait3A_258 : memref<1x512x64xf32, #tpu.memory_space<vmem>> -> memref<512x64xf32, #tpu.memory_space<vmem>>
      %dma_wait3A_260 = arith.constant 256 : i32
      %dma_wait3A_261 = arith.constant 0 : i32
      %dma_wait3A_262 = tpu.memref_slice %dma_wait3A_259[%dma_wait3A_260, %dma_wait3A_261] : memref<512x64xf32, #tpu.memory_space<vmem>> -> memref<128x64xf32, #tpu.memory_space<vmem>>
      %dma_wait3A_263 = arith.constant 0 : i32
      %dma_wait3A_264 = tpu.memref_slice %arg5[%dma_wait3A_253, %dma_wait3A_263] : memref<2x512xi32, #tpu.memory_space<vmem>> -> memref<1x512xi32, #tpu.memory_space<vmem>>
      %dma_wait3A_265 = tpu.memref_squeeze %dma_wait3A_264 : memref<1x512xi32, #tpu.memory_space<vmem>> -> memref<512xi32, #tpu.memory_space<vmem>>
      %dma_wait3A_266 = arith.constant 256 : i32
      %dma_wait3A_267 = tpu.memref_slice %dma_wait3A_265[%dma_wait3A_266] : memref<512xi32, #tpu.memory_space<vmem>> -> memref<128xi32, #tpu.memory_space<vmem>>
      %dma_wait3A_268 = arith.constant 0 : i32
      %dma_wait3A_269 = arith.constant 0 : i32
      %dma_wait3A_270 = tpu.memref_slice %arg3[%dma_wait3A_268, %dma_wait3A_269] : memref<1000000x64xf32, #tpu.memory_space<hbm>> -> memref<1000000x64xf32, #tpu.memory_space<hbm>>
      %dma_wait3A_271 = tpu.memref_slice %arg7[%dma_wait3A_255] : memref<2x!tpu.dma_semaphore, #tpu.memory_space<semaphore_mem>> -> memref<1x!tpu.dma_semaphore, #tpu.memory_space<semaphore_mem>>
      %dma_wait3A_272 = tpu.memref_squeeze %dma_wait3A_271 : memref<1x!tpu.dma_semaphore, #tpu.memory_space<semaphore_mem>> -> memref<!tpu.dma_semaphore, #tpu.memory_space<semaphore_mem>>
      tpu.wait_indirect_dma semaphore(%dma_wait3A_272 : memref<!tpu.dma_semaphore, #tpu.memory_space<semaphore_mem>>) src(%dma_wait3A_270 : memref<1000000x64xf32, #tpu.memory_space<hbm>>) dst(%dma_wait3A_262 : memref<128x64xf32, #tpu.memory_space<vmem>>)
      %dma_wait3A_273 = arith.constant 0 : i32
      %dma_wait3A_274 = arith.constant 0 : i32
      %dma_wait3A_275 = arith.constant 0 : i32
      %dma_wait3A_276 = arith.constant 0 : i32
      %dma_wait3A_277 = arith.constant 0 : i32
      %dma_wait3A_278 = tpu.memref_slice %arg6[%dma_wait3A_274, %dma_wait3A_276, %dma_wait3A_277] : memref<2x512x64xf32, #tpu.memory_space<vmem>> -> memref<1x512x64xf32, #tpu.memory_space<vmem>>
      %dma_wait3A_279 = tpu.memref_squeeze %dma_wait3A_278 : memref<1x512x64xf32, #tpu.memory_space<vmem>> -> memref<512x64xf32, #tpu.memory_space<vmem>>
      %dma_wait3A_280 = arith.constant 384 : i32
      %dma_wait3A_281 = arith.constant 0 : i32
      %dma_wait3A_282 = tpu.memref_slice %dma_wait3A_279[%dma_wait3A_280, %dma_wait3A_281] : memref<512x64xf32, #tpu.memory_space<vmem>> -> memref<128x64xf32, #tpu.memory_space<vmem>>
      %dma_wait3A_283 = arith.constant 0 : i32
      %dma_wait3A_284 = tpu.memref_slice %arg5[%dma_wait3A_273, %dma_wait3A_283] : memref<2x512xi32, #tpu.memory_space<vmem>> -> memref<1x512xi32, #tpu.memory_space<vmem>>
      %dma_wait3A_285 = tpu.memref_squeeze %dma_wait3A_284 : memref<1x512xi32, #tpu.memory_space<vmem>> -> memref<512xi32, #tpu.memory_space<vmem>>
      %dma_wait3A_286 = arith.constant 384 : i32
      %dma_wait3A_287 = tpu.memref_slice %dma_wait3A_285[%dma_wait3A_286] : memref<512xi32, #tpu.memory_space<vmem>> -> memref<128xi32, #tpu.memory_space<vmem>>
      %dma_wait3A_288 = arith.constant 0 : i32
      %dma_wait3A_289 = arith.constant 0 : i32
      %dma_wait3A_290 = tpu.memref_slice %arg3[%dma_wait3A_288, %dma_wait3A_289] : memref<1000000x64xf32, #tpu.memory_space<hbm>> -> memref<1000000x64xf32, #tpu.memory_space<hbm>>
      %dma_wait3A_291 = tpu.memref_slice %arg7[%dma_wait3A_275] : memref<2x!tpu.dma_semaphore, #tpu.memory_space<semaphore_mem>> -> memref<1x!tpu.dma_semaphore, #tpu.memory_space<semaphore_mem>>
      %dma_wait3A_292 = tpu.memref_squeeze %dma_wait3A_291 : memref<1x!tpu.dma_semaphore, #tpu.memory_space<semaphore_mem>> -> memref<!tpu.dma_semaphore, #tpu.memory_space<semaphore_mem>>
      tpu.wait_indirect_dma semaphore(%dma_wait3A_292 : memref<!tpu.dma_semaphore, #tpu.memory_space<semaphore_mem>>) src(%dma_wait3A_290 : memref<1000000x64xf32, #tpu.memory_space<hbm>>) dst(%dma_wait3A_282 : memref<128x64xf32, #tpu.memory_space<vmem>>)
      %dma_start3A_293 = arith.constant 0 : i32
      %dma_start3A_294 = arith.constant 0 : i32
      %dma_start3A_295 = arith.constant 0 : i32
      %dma_start3A_296 = arith.constant 0 : i32
      %dma_start3A_297 = tpu.memref_slice %arg6[%dma_start3A_293, %dma_start3A_295, %dma_start3A_296] : memref<2x512x64xf32, #tpu.memory_space<vmem>> -> memref<1x512x64xf32, #tpu.memory_space<vmem>>
      %dma_start3A_298 = tpu.memref_squeeze %dma_start3A_297 : memref<1x512x64xf32, #tpu.memory_space<vmem>> -> memref<512x64xf32, #tpu.memory_space<vmem>>
      %dma_start3A_299 = arith.constant 0 : i32
      %dma_start3A_300 = tpu.memref_slice %arg4[%mul3A_127, %mul3A_2, %dma_start3A_299] : memref<200x16384x128xf32, #tpu.memory_space<hbm>> -> memref<1x512x64xf32, #tpu.memory_space<hbm>>
      %dma_start3A_301 = tpu.memref_squeeze %dma_start3A_300 : memref<1x512x64xf32, #tpu.memory_space<hbm>> -> memref<512x64xf32, #tpu.memory_space<hbm>>
      %dma_start3A_302 = tpu.memref_slice %arg8[%dma_start3A_294] : memref<2x!tpu.dma_semaphore, #tpu.memory_space<semaphore_mem>> -> memref<1x!tpu.dma_semaphore, #tpu.memory_space<semaphore_mem>>
      %dma_start3A_303 = tpu.memref_squeeze %dma_start3A_302 : memref<1x!tpu.dma_semaphore, #tpu.memory_space<semaphore_mem>> -> memref<!tpu.dma_semaphore, #tpu.memory_space<semaphore_mem>>
      %dma_start3A_304 = arith.constant 0 : i32
      %dma_start3A_305 = tpu.memref_slice %arg4[%mul3A_127, %mul3A_2, %dma_start3A_304] : memref<200x16384x128xf32, #tpu.memory_space<hbm>> -> memref<1x512x64xf32, #tpu.memory_space<hbm>>
      %dma_start3A_306 = tpu.memref_squeeze %dma_start3A_305 : memref<1x512x64xf32, #tpu.memory_space<hbm>> -> memref<512x64xf32, #tpu.memory_space<hbm>>
      %dma_start3A_307 = arith.constant 0 : i32
      %dma_start3A_308 = arith.constant 0 : i32
      %dma_start3A_309 = tpu.memref_slice %arg6[%dma_start3A_293, %dma_start3A_307, %dma_start3A_308] : memref<2x512x64xf32, #tpu.memory_space<vmem>> -> memref<1x512x64xf32, #tpu.memory_space<vmem>>
      %dma_start3A_310 = tpu.memref_squeeze %dma_start3A_309 : memref<1x512x64xf32, #tpu.memory_space<vmem>> -> memref<512x64xf32, #tpu.memory_space<vmem>>
      tpu.enqueue_dma source(%dma_start3A_310 : memref<512x64xf32, #tpu.memory_space<vmem>>) target(%dma_start3A_306 : memref<512x64xf32, #tpu.memory_space<hbm>>) target_semaphore(%dma_start3A_303 : memref<!tpu.dma_semaphore, #tpu.memory_space<semaphore_mem>>)
      %lt3A = arith.constant 99 : i32
      %lt3A_311 = arith.cmpi slt, %scan3A_125, %lt3A : i32
      %convert_element_type3A_312 = arith.extui %lt3A_311 : i1 to i32
      %cond3A_313 = arith.constant 0 : i32
      %cond3A_314 = arith.cmpi ne, %convert_element_type3A_312, %cond3A_313 : i32
      scf.if %cond3A_314 {
        %dma_wait3A_413 = arith.constant 0 : i32
        %dma_wait3A_414 = arith.constant 0 : i32
        %dma_wait3A_415 = arith.constant 0 : i32
        %dma_wait3A_416 = arith.constant 0 : i32
        %dma_wait3A_417 = tpu.memref_slice %arg6[%dma_wait3A_413, %dma_wait3A_415, %dma_wait3A_416] : memref<2x512x64xf32, #tpu.memory_space<vmem>> -> memref<1x512x64xf32, #tpu.memory_space<vmem>>
        %dma_wait3A_418 = tpu.memref_squeeze %dma_wait3A_417 : memref<1x512x64xf32, #tpu.memory_space<vmem>> -> memref<512x64xf32, #tpu.memory_space<vmem>>
        %dma_wait3A_419 = arith.constant 0 : i32
        %dma_wait3A_420 = tpu.memref_slice %arg4[%mul3A_127, %mul3A_2, %dma_wait3A_419] : memref<200x16384x128xf32, #tpu.memory_space<hbm>> -> memref<1x512x64xf32, #tpu.memory_space<hbm>>
        %dma_wait3A_421 = tpu.memref_squeeze %dma_wait3A_420 : memref<1x512x64xf32, #tpu.memory_space<hbm>> -> memref<512x64xf32, #tpu.memory_space<hbm>>
        %dma_wait3A_422 = tpu.memref_slice %arg8[%dma_wait3A_414] : memref<2x!tpu.dma_semaphore, #tpu.memory_space<semaphore_mem>> -> memref<1x!tpu.dma_semaphore, #tpu.memory_space<semaphore_mem>>
        %dma_wait3A_423 = tpu.memref_squeeze %dma_wait3A_422 : memref<1x!tpu.dma_semaphore, #tpu.memory_space<semaphore_mem>> -> memref<!tpu.dma_semaphore, #tpu.memory_space<semaphore_mem>>
        %dma_wait3A_424 = arith.constant 0 : i32
        %dma_wait3A_425 = tpu.memref_slice %arg4[%mul3A_127, %mul3A_2, %dma_wait3A_424] : memref<200x16384x128xf32, #tpu.memory_space<hbm>> -> memref<1x512x64xf32, #tpu.memory_space<hbm>>
        %dma_wait3A_426 = tpu.memref_squeeze %dma_wait3A_425 : memref<1x512x64xf32, #tpu.memory_space<hbm>> -> memref<512x64xf32, #tpu.memory_space<hbm>>
        %dma_wait3A_427 = arith.constant 0 : i32
        %dma_wait3A_428 = arith.constant 0 : i32
        %dma_wait3A_429 = tpu.memref_slice %arg6[%dma_wait3A_413, %dma_wait3A_427, %dma_wait3A_428] : memref<2x512x64xf32, #tpu.memory_space<vmem>> -> memref<1x512x64xf32, #tpu.memory_space<vmem>>
        %dma_wait3A_430 = tpu.memref_squeeze %dma_wait3A_429 : memref<1x512x64xf32, #tpu.memory_space<vmem>> -> memref<512x64xf32, #tpu.memory_space<vmem>>
        tpu.wait_dma2 semaphore(%dma_wait3A_423 : memref<!tpu.dma_semaphore, #tpu.memory_space<semaphore_mem>>) src(%dma_wait3A_430 : memref<512x64xf32, #tpu.memory_space<vmem>>) dst(%dma_wait3A_426 : memref<512x64xf32, #tpu.memory_space<hbm>>)
        %add3A_431 = arith.constant 2 : i32
        %add3A_432 = arith.addi %mul3A_127, %add3A_431 : i32
        %run_scoped3A_433 = arith.constant 0 : i32
        "tpu.region"() ({
          %run_scoped3A_514 = tpu.sem_alloc : memref<!tpu.dma_semaphore, #tpu.memory_space<semaphore_mem>>
          %dma_start3A_515 = arith.constant 0 : i32
          %dma_start3A_516 = tpu.memref_slice %arg5[%run_scoped3A_433, %dma_start3A_515] : memref<2x512xi32, #tpu.memory_space<vmem>> -> memref<1x512xi32, #tpu.memory_space<vmem>>
          %dma_start3A_517 = tpu.memref_squeeze %dma_start3A_516 : memref<1x512xi32, #tpu.memory_space<vmem>> -> memref<512xi32, #tpu.memory_space<vmem>>
          %dma_start3A_518 = tpu.memref_slice %arg2[%add3A_432, %mul3A_2] : memref<200x16384xi32, #tpu.memory_space<hbm>> -> memref<1x512xi32, #tpu.memory_space<hbm>>
          %dma_start3A_519 = tpu.memref_squeeze %dma_start3A_518 : memref<1x512xi32, #tpu.memory_space<hbm>> -> memref<512xi32, #tpu.memory_space<hbm>>
          %dma_start3A_520 = arith.constant 0 : i32
          %dma_start3A_521 = tpu.memref_slice %arg5[%run_scoped3A_433, %dma_start3A_520] : memref<2x512xi32, #tpu.memory_space<vmem>> -> memref<1x512xi32, #tpu.memory_space<vmem>>
          %dma_start3A_522 = tpu.memref_squeeze %dma_start3A_521 : memref<1x512xi32, #tpu.memory_space<vmem>> -> memref<512xi32, #tpu.memory_space<vmem>>
          %dma_start3A_523 = tpu.memref_slice %arg2[%add3A_432, %mul3A_2] : memref<200x16384xi32, #tpu.memory_space<hbm>> -> memref<1x512xi32, #tpu.memory_space<hbm>>
          %dma_start3A_524 = tpu.memref_squeeze %dma_start3A_523 : memref<1x512xi32, #tpu.memory_space<hbm>> -> memref<512xi32, #tpu.memory_space<hbm>>
          tpu.enqueue_dma source(%dma_start3A_524 : memref<512xi32, #tpu.memory_space<hbm>>) target(%dma_start3A_522 : memref<512xi32, #tpu.memory_space<vmem>>) target_semaphore(%run_scoped3A_514 : memref<!tpu.dma_semaphore, #tpu.memory_space<semaphore_mem>>)
          %dma_wait3A_525 = arith.constant 0 : i32
          %dma_wait3A_526 = tpu.memref_slice %arg5[%run_scoped3A_433, %dma_wait3A_525] : memref<2x512xi32, #tpu.memory_space<vmem>> -> memref<1x512xi32, #tpu.memory_space<vmem>>
          %dma_wait3A_527 = tpu.memref_squeeze %dma_wait3A_526 : memref<1x512xi32, #tpu.memory_space<vmem>> -> memref<512xi32, #tpu.memory_space<vmem>>
          %dma_wait3A_528 = tpu.memref_slice %arg2[%add3A_432, %mul3A_2] : memref<200x16384xi32, #tpu.memory_space<hbm>> -> memref<1x512xi32, #tpu.memory_space<hbm>>
          %dma_wait3A_529 = tpu.memref_squeeze %dma_wait3A_528 : memref<1x512xi32, #tpu.memory_space<hbm>> -> memref<512xi32, #tpu.memory_space<hbm>>
          %dma_wait3A_530 = arith.constant 0 : i32
          %dma_wait3A_531 = tpu.memref_slice %arg5[%run_scoped3A_433, %dma_wait3A_530] : memref<2x512xi32, #tpu.memory_space<vmem>> -> memref<1x512xi32, #tpu.memory_space<vmem>>
          %dma_wait3A_532 = tpu.memref_squeeze %dma_wait3A_531 : memref<1x512xi32, #tpu.memory_space<vmem>> -> memref<512xi32, #tpu.memory_space<vmem>>
          %dma_wait3A_533 = tpu.memref_slice %arg2[%add3A_432, %mul3A_2] : memref<200x16384xi32, #tpu.memory_space<hbm>> -> memref<1x512xi32, #tpu.memory_space<hbm>>
          %dma_wait3A_534 = tpu.memref_squeeze %dma_wait3A_533 : memref<1x512xi32, #tpu.memory_space<hbm>> -> memref<512xi32, #tpu.memory_space<hbm>>
          tpu.wait_dma2 semaphore(%run_scoped3A_514 : memref<!tpu.dma_semaphore, #tpu.memory_space<semaphore_mem>>) src(%dma_wait3A_534 : memref<512xi32, #tpu.memory_space<hbm>>) dst(%dma_wait3A_532 : memref<512xi32, #tpu.memory_space<vmem>>)
          tpu.yield
        }) : () -> ()
        %dma_start3A_434 = arith.constant 0 : i32
        %dma_start3A_435 = arith.constant 0 : i32
        %dma_start3A_436 = arith.constant 0 : i32
        %dma_start3A_437 = arith.constant 0 : i32
        %dma_start3A_438 = arith.constant 0 : i32
        %dma_start3A_439 = tpu.memref_slice %arg6[%dma_start3A_435, %dma_start3A_437, %dma_start3A_438] : memref<2x512x64xf32, #tpu.memory_space<vmem>> -> memref<1x512x64xf32, #tpu.memory_space<vmem>>
        %dma_start3A_440 = tpu.memref_squeeze %dma_start3A_439 : memref<1x512x64xf32, #tpu.memory_space<vmem>> -> memref<512x64xf32, #tpu.memory_space<vmem>>
        %dma_start3A_441 = arith.constant 0 : i32
        %dma_start3A_442 = arith.constant 0 : i32
        %dma_start3A_443 = tpu.memref_slice %dma_start3A_440[%dma_start3A_441, %dma_start3A_442] : memref<512x64xf32, #tpu.memory_space<vmem>> -> memref<128x64xf32, #tpu.memory_space<vmem>>
        %dma_start3A_444 = arith.constant 0 : i32
        %dma_start3A_445 = tpu.memref_slice %arg5[%dma_start3A_434, %dma_start3A_444] : memref<2x512xi32, #tpu.memory_space<vmem>> -> memref<1x512xi32, #tpu.memory_space<vmem>>
        %dma_start3A_446 = tpu.memref_squeeze %dma_start3A_445 : memref<1x512xi32, #tpu.memory_space<vmem>> -> memref<512xi32, #tpu.memory_space<vmem>>
        %dma_start3A_447 = arith.constant 0 : i32
        %dma_start3A_448 = tpu.memref_slice %dma_start3A_446[%dma_start3A_447] : memref<512xi32, #tpu.memory_space<vmem>> -> memref<128xi32, #tpu.memory_space<vmem>>
        %dma_start3A_449 = arith.constant 0 : i32
        %dma_start3A_450 = arith.constant 0 : i32
        %dma_start3A_451 = tpu.memref_slice %arg3[%dma_start3A_449, %dma_start3A_450] : memref<1000000x64xf32, #tpu.memory_space<hbm>> -> memref<1000000x64xf32, #tpu.memory_space<hbm>>
        %dma_start3A_452 = tpu.memref_slice %arg7[%dma_start3A_436] : memref<2x!tpu.dma_semaphore, #tpu.memory_space<semaphore_mem>> -> memref<1x!tpu.dma_semaphore, #tpu.memory_space<semaphore_mem>>
        %dma_start3A_453 = tpu.memref_squeeze %dma_start3A_452 : memref<1x!tpu.dma_semaphore, #tpu.memory_space<semaphore_mem>> -> memref<!tpu.dma_semaphore, #tpu.memory_space<semaphore_mem>>
        tpu.enqueue_indirect_dma source(%dma_start3A_451 : memref<1000000x64xf32, #tpu.memory_space<hbm>>) target(%dma_start3A_443 : memref<128x64xf32, #tpu.memory_space<vmem>>) offsets(%dma_start3A_448 : memref<128xi32, #tpu.memory_space<vmem>>) semaphore(%dma_start3A_453 : memref<!tpu.dma_semaphore, #tpu.memory_space<semaphore_mem>>)
        %dma_start3A_454 = arith.constant 0 : i32
        %dma_start3A_455 = arith.constant 0 : i32
        %dma_start3A_456 = arith.constant 0 : i32
        %dma_start3A_457 = arith.constant 0 : i32
        %dma_start3A_458 = arith.constant 0 : i32
        %dma_start3A_459 = tpu.memref_slice %arg6[%dma_start3A_455, %dma_start3A_457, %dma_start3A_458] : memref<2x512x64xf32, #tpu.memory_space<vmem>> -> memref<1x512x64xf32, #tpu.memory_space<vmem>>
        %dma_start3A_460 = tpu.memref_squeeze %dma_start3A_459 : memref<1x512x64xf32, #tpu.memory_space<vmem>> -> memref<512x64xf32, #tpu.memory_space<vmem>>
        %dma_start3A_461 = arith.constant 128 : i32
        %dma_start3A_462 = arith.constant 0 : i32
        %dma_start3A_463 = tpu.memref_slice %dma_start3A_460[%dma_start3A_461, %dma_start3A_462] : memref<512x64xf32, #tpu.memory_space<vmem>> -> memref<128x64xf32, #tpu.memory_space<vmem>>
        %dma_start3A_464 = arith.constant 0 : i32
        %dma_start3A_465 = tpu.memref_slice %arg5[%dma_start3A_454, %dma_start3A_464] : memref<2x512xi32, #tpu.memory_space<vmem>> -> memref<1x512xi32, #tpu.memory_space<vmem>>
        %dma_start3A_466 = tpu.memref_squeeze %dma_start3A_465 : memref<1x512xi32, #tpu.memory_space<vmem>> -> memref<512xi32, #tpu.memory_space<vmem>>
        %dma_start3A_467 = arith.constant 128 : i32
        %dma_start3A_468 = tpu.memref_slice %dma_start3A_466[%dma_start3A_467] : memref<512xi32, #tpu.memory_space<vmem>> -> memref<128xi32, #tpu.memory_space<vmem>>
        %dma_start3A_469 = arith.constant 0 : i32
        %dma_start3A_470 = arith.constant 0 : i32
        %dma_start3A_471 = tpu.memref_slice %arg3[%dma_start3A_469, %dma_start3A_470] : memref<1000000x64xf32, #tpu.memory_space<hbm>> -> memref<1000000x64xf32, #tpu.memory_space<hbm>>
        %dma_start3A_472 = tpu.memref_slice %arg7[%dma_start3A_456] : memref<2x!tpu.dma_semaphore, #tpu.memory_space<semaphore_mem>> -> memref<1x!tpu.dma_semaphore, #tpu.memory_space<semaphore_mem>>
        %dma_start3A_473 = tpu.memref_squeeze %dma_start3A_472 : memref<1x!tpu.dma_semaphore, #tpu.memory_space<semaphore_mem>> -> memref<!tpu.dma_semaphore, #tpu.memory_space<semaphore_mem>>
        tpu.enqueue_indirect_dma source(%dma_start3A_471 : memref<1000000x64xf32, #tpu.memory_space<hbm>>) target(%dma_start3A_463 : memref<128x64xf32, #tpu.memory_space<vmem>>) offsets(%dma_start3A_468 : memref<128xi32, #tpu.memory_space<vmem>>) semaphore(%dma_start3A_473 : memref<!tpu.dma_semaphore, #tpu.memory_space<semaphore_mem>>)
        %dma_start3A_474 = arith.constant 0 : i32
        %dma_start3A_475 = arith.constant 0 : i32
        %dma_start3A_476 = arith.constant 0 : i32
        %dma_start3A_477 = arith.constant 0 : i32
        %dma_start3A_478 = arith.constant 0 : i32
        %dma_start3A_479 = tpu.memref_slice %arg6[%dma_start3A_475, %dma_start3A_477, %dma_start3A_478] : memref<2x512x64xf32, #tpu.memory_space<vmem>> -> memref<1x512x64xf32, #tpu.memory_space<vmem>>
        %dma_start3A_480 = tpu.memref_squeeze %dma_start3A_479 : memref<1x512x64xf32, #tpu.memory_space<vmem>> -> memref<512x64xf32, #tpu.memory_space<vmem>>
        %dma_start3A_481 = arith.constant 256 : i32
        %dma_start3A_482 = arith.constant 0 : i32
        %dma_start3A_483 = tpu.memref_slice %dma_start3A_480[%dma_start3A_481, %dma_start3A_482] : memref<512x64xf32, #tpu.memory_space<vmem>> -> memref<128x64xf32, #tpu.memory_space<vmem>>
        %dma_start3A_484 = arith.constant 0 : i32
        %dma_start3A_485 = tpu.memref_slice %arg5[%dma_start3A_474, %dma_start3A_484] : memref<2x512xi32, #tpu.memory_space<vmem>> -> memref<1x512xi32, #tpu.memory_space<vmem>>
        %dma_start3A_486 = tpu.memref_squeeze %dma_start3A_485 : memref<1x512xi32, #tpu.memory_space<vmem>> -> memref<512xi32, #tpu.memory_space<vmem>>
        %dma_start3A_487 = arith.constant 256 : i32
        %dma_start3A_488 = tpu.memref_slice %dma_start3A_486[%dma_start3A_487] : memref<512xi32, #tpu.memory_space<vmem>> -> memref<128xi32, #tpu.memory_space<vmem>>
        %dma_start3A_489 = arith.constant 0 : i32
        %dma_start3A_490 = arith.constant 0 : i32
        %dma_start3A_491 = tpu.memref_slice %arg3[%dma_start3A_489, %dma_start3A_490] : memref<1000000x64xf32, #tpu.memory_space<hbm>> -> memref<1000000x64xf32, #tpu.memory_space<hbm>>
        %dma_start3A_492 = tpu.memref_slice %arg7[%dma_start3A_476] : memref<2x!tpu.dma_semaphore, #tpu.memory_space<semaphore_mem>> -> memref<1x!tpu.dma_semaphore, #tpu.memory_space<semaphore_mem>>
        %dma_start3A_493 = tpu.memref_squeeze %dma_start3A_492 : memref<1x!tpu.dma_semaphore, #tpu.memory_space<semaphore_mem>> -> memref<!tpu.dma_semaphore, #tpu.memory_space<semaphore_mem>>
        tpu.enqueue_indirect_dma source(%dma_start3A_491 : memref<1000000x64xf32, #tpu.memory_space<hbm>>) target(%dma_start3A_483 : memref<128x64xf32, #tpu.memory_space<vmem>>) offsets(%dma_start3A_488 : memref<128xi32, #tpu.memory_space<vmem>>) semaphore(%dma_start3A_493 : memref<!tpu.dma_semaphore, #tpu.memory_space<semaphore_mem>>)
        %dma_start3A_494 = arith.constant 0 : i32
        %dma_start3A_495 = arith.constant 0 : i32
        %dma_start3A_496 = arith.constant 0 : i32
        %dma_start3A_497 = arith.constant 0 : i32
        %dma_start3A_498 = arith.constant 0 : i32
        %dma_start3A_499 = tpu.memref_slice %arg6[%dma_start3A_495, %dma_start3A_497, %dma_start3A_498] : memref<2x512x64xf32, #tpu.memory_space<vmem>> -> memref<1x512x64xf32, #tpu.memory_space<vmem>>
        %dma_start3A_500 = tpu.memref_squeeze %dma_start3A_499 : memref<1x512x64xf32, #tpu.memory_space<vmem>> -> memref<512x64xf32, #tpu.memory_space<vmem>>
        %dma_start3A_501 = arith.constant 384 : i32
        %dma_start3A_502 = arith.constant 0 : i32
        %dma_start3A_503 = tpu.memref_slice %dma_start3A_500[%dma_start3A_501, %dma_start3A_502] : memref<512x64xf32, #tpu.memory_space<vmem>> -> memref<128x64xf32, #tpu.memory_space<vmem>>
        %dma_start3A_504 = arith.constant 0 : i32
        %dma_start3A_505 = tpu.memref_slice %arg5[%dma_start3A_494, %dma_start3A_504] : memref<2x512xi32, #tpu.memory_space<vmem>> -> memref<1x512xi32, #tpu.memory_space<vmem>>
        %dma_start3A_506 = tpu.memref_squeeze %dma_start3A_505 : memref<1x512xi32, #tpu.memory_space<vmem>> -> memref<512xi32, #tpu.memory_space<vmem>>
        %dma_start3A_507 = arith.constant 384 : i32
        %dma_start3A_508 = tpu.memref_slice %dma_start3A_506[%dma_start3A_507] : memref<512xi32, #tpu.memory_space<vmem>> -> memref<128xi32, #tpu.memory_space<vmem>>
        %dma_start3A_509 = arith.constant 0 : i32
        %dma_start3A_510 = arith.constant 0 : i32
        %dma_start3A_511 = tpu.memref_slice %arg3[%dma_start3A_509, %dma_start3A_510] : memref<1000000x64xf32, #tpu.memory_space<hbm>> -> memref<1000000x64xf32, #tpu.memory_space<hbm>>
        %dma_start3A_512 = tpu.memref_slice %arg7[%dma_start3A_496] : memref<2x!tpu.dma_semaphore, #tpu.memory_space<semaphore_mem>> -> memref<1x!tpu.dma_semaphore, #tpu.memory_space<semaphore_mem>>
        %dma_start3A_513 = tpu.memref_squeeze %dma_start3A_512 : memref<1x!tpu.dma_semaphore, #tpu.memory_space<semaphore_mem>> -> memref<!tpu.dma_semaphore, #tpu.memory_space<semaphore_mem>>
        tpu.enqueue_indirect_dma source(%dma_start3A_511 : memref<1000000x64xf32, #tpu.memory_space<hbm>>) target(%dma_start3A_503 : memref<128x64xf32, #tpu.memory_space<vmem>>) offsets(%dma_start3A_508 : memref<128xi32, #tpu.memory_space<vmem>>) semaphore(%dma_start3A_513 : memref<!tpu.dma_semaphore, #tpu.memory_space<semaphore_mem>>)
      } else {
      }
      %dma_wait3A_315 = arith.constant 1 : i32
      %dma_wait3A_316 = arith.constant 1 : i32
      %dma_wait3A_317 = arith.constant 1 : i32
      %dma_wait3A_318 = arith.constant 0 : i32
      %dma_wait3A_319 = arith.constant 0 : i32
      %dma_wait3A_320 = tpu.memref_slice %arg6[%dma_wait3A_316, %dma_wait3A_318, %dma_wait3A_319] : memref<2x512x64xf32, #tpu.memory_space<vmem>> -> memref<1x512x64xf32, #tpu.memory_space<vmem>>
      %dma_wait3A_321 = tpu.memref_squeeze %dma_wait3A_320 : memref<1x512x64xf32, #tpu.memory_space<vmem>> -> memref<512x64xf32, #tpu.memory_space<vmem>>
      %dma_wait3A_322 = arith.constant 0 : i32
      %dma_wait3A_323 = arith.constant 0 : i32
      %dma_wait3A_324 = tpu.memref_slice %dma_wait3A_321[%dma_wait3A_322, %dma_wait3A_323] : memref<512x64xf32, #tpu.memory_space<vmem>> -> memref<128x64xf32, #tpu.memory_space<vmem>>
      %dma_wait3A_325 = arith.constant 0 : i32
      %dma_wait3A_326 = tpu.memref_slice %arg5[%dma_wait3A_315, %dma_wait3A_325] : memref<2x512xi32, #tpu.memory_space<vmem>> -> memref<1x512xi32, #tpu.memory_space<vmem>>
      %dma_wait3A_327 = tpu.memref_squeeze %dma_wait3A_326 : memref<1x512xi32, #tpu.memory_space<vmem>> -> memref<512xi32, #tpu.memory_space<vmem>>
      %dma_wait3A_328 = arith.constant 0 : i32
      %dma_wait3A_329 = tpu.memref_slice %dma_wait3A_327[%dma_wait3A_328] : memref<512xi32, #tpu.memory_space<vmem>> -> memref<128xi32, #tpu.memory_space<vmem>>
      %dma_wait3A_330 = arith.constant 0 : i32
      %dma_wait3A_331 = arith.constant 0 : i32
      %dma_wait3A_332 = tpu.memref_slice %arg3[%dma_wait3A_330, %dma_wait3A_331] : memref<1000000x64xf32, #tpu.memory_space<hbm>> -> memref<1000000x64xf32, #tpu.memory_space<hbm>>
      %dma_wait3A_333 = tpu.memref_slice %arg7[%dma_wait3A_317] : memref<2x!tpu.dma_semaphore, #tpu.memory_space<semaphore_mem>> -> memref<1x!tpu.dma_semaphore, #tpu.memory_space<semaphore_mem>>
      %dma_wait3A_334 = tpu.memref_squeeze %dma_wait3A_333 : memref<1x!tpu.dma_semaphore, #tpu.memory_space<semaphore_mem>> -> memref<!tpu.dma_semaphore, #tpu.memory_space<semaphore_mem>>
      tpu.wait_indirect_dma semaphore(%dma_wait3A_334 : memref<!tpu.dma_semaphore, #tpu.memory_space<semaphore_mem>>) src(%dma_wait3A_332 : memref<1000000x64xf32, #tpu.memory_space<hbm>>) dst(%dma_wait3A_324 : memref<128x64xf32, #tpu.memory_space<vmem>>)
      %dma_wait3A_335 = arith.constant 1 : i32
      %dma_wait3A_336 = arith.constant 1 : i32
      %dma_wait3A_337 = arith.constant 1 : i32
      %dma_wait3A_338 = arith.constant 0 : i32
      %dma_wait3A_339 = arith.constant 0 : i32
      %dma_wait3A_340 = tpu.memref_slice %arg6[%dma_wait3A_336, %dma_wait3A_338, %dma_wait3A_339] : memref<2x512x64xf32, #tpu.memory_space<vmem>> -> memref<1x512x64xf32, #tpu.memory_space<vmem>>
      %dma_wait3A_341 = tpu.memref_squeeze %dma_wait3A_340 : memref<1x512x64xf32, #tpu.memory_space<vmem>> -> memref<512x64xf32, #tpu.memory_space<vmem>>
      %dma_wait3A_342 = arith.constant 128 : i32
      %dma_wait3A_343 = arith.constant 0 : i32
      %dma_wait3A_344 = tpu.memref_slice %dma_wait3A_341[%dma_wait3A_342, %dma_wait3A_343] : memref<512x64xf32, #tpu.memory_space<vmem>> -> memref<128x64xf32, #tpu.memory_space<vmem>>
      %dma_wait3A_345 = arith.constant 0 : i32
      %dma_wait3A_346 = tpu.memref_slice %arg5[%dma_wait3A_335, %dma_wait3A_345] : memref<2x512xi32, #tpu.memory_space<vmem>> -> memref<1x512xi32, #tpu.memory_space<vmem>>
      %dma_wait3A_347 = tpu.memref_squeeze %dma_wait3A_346 : memref<1x512xi32, #tpu.memory_space<vmem>> -> memref<512xi32, #tpu.memory_space<vmem>>
      %dma_wait3A_348 = arith.constant 128 : i32
      %dma_wait3A_349 = tpu.memref_slice %dma_wait3A_347[%dma_wait3A_348] : memref<512xi32, #tpu.memory_space<vmem>> -> memref<128xi32, #tpu.memory_space<vmem>>
      %dma_wait3A_350 = arith.constant 0 : i32
      %dma_wait3A_351 = arith.constant 0 : i32
      %dma_wait3A_352 = tpu.memref_slice %arg3[%dma_wait3A_350, %dma_wait3A_351] : memref<1000000x64xf32, #tpu.memory_space<hbm>> -> memref<1000000x64xf32, #tpu.memory_space<hbm>>
      %dma_wait3A_353 = tpu.memref_slice %arg7[%dma_wait3A_337] : memref<2x!tpu.dma_semaphore, #tpu.memory_space<semaphore_mem>> -> memref<1x!tpu.dma_semaphore, #tpu.memory_space<semaphore_mem>>
      %dma_wait3A_354 = tpu.memref_squeeze %dma_wait3A_353 : memref<1x!tpu.dma_semaphore, #tpu.memory_space<semaphore_mem>> -> memref<!tpu.dma_semaphore, #tpu.memory_space<semaphore_mem>>
      tpu.wait_indirect_dma semaphore(%dma_wait3A_354 : memref<!tpu.dma_semaphore, #tpu.memory_space<semaphore_mem>>) src(%dma_wait3A_352 : memref<1000000x64xf32, #tpu.memory_space<hbm>>) dst(%dma_wait3A_344 : memref<128x64xf32, #tpu.memory_space<vmem>>)
      %dma_wait3A_355 = arith.constant 1 : i32
      %dma_wait3A_356 = arith.constant 1 : i32
      %dma_wait3A_357 = arith.constant 1 : i32
      %dma_wait3A_358 = arith.constant 0 : i32
      %dma_wait3A_359 = arith.constant 0 : i32
      %dma_wait3A_360 = tpu.memref_slice %arg6[%dma_wait3A_356, %dma_wait3A_358, %dma_wait3A_359] : memref<2x512x64xf32, #tpu.memory_space<vmem>> -> memref<1x512x64xf32, #tpu.memory_space<vmem>>
      %dma_wait3A_361 = tpu.memref_squeeze %dma_wait3A_360 : memref<1x512x64xf32, #tpu.memory_space<vmem>> -> memref<512x64xf32, #tpu.memory_space<vmem>>
      %dma_wait3A_362 = arith.constant 256 : i32
      %dma_wait3A_363 = arith.constant 0 : i32
      %dma_wait3A_364 = tpu.memref_slice %dma_wait3A_361[%dma_wait3A_362, %dma_wait3A_363] : memref<512x64xf32, #tpu.memory_space<vmem>> -> memref<128x64xf32, #tpu.memory_space<vmem>>
      %dma_wait3A_365 = arith.constant 0 : i32
      %dma_wait3A_366 = tpu.memref_slice %arg5[%dma_wait3A_355, %dma_wait3A_365] : memref<2x512xi32, #tpu.memory_space<vmem>> -> memref<1x512xi32, #tpu.memory_space<vmem>>
      %dma_wait3A_367 = tpu.memref_squeeze %dma_wait3A_366 : memref<1x512xi32, #tpu.memory_space<vmem>> -> memref<512xi32, #tpu.memory_space<vmem>>
      %dma_wait3A_368 = arith.constant 256 : i32
      %dma_wait3A_369 = tpu.memref_slice %dma_wait3A_367[%dma_wait3A_368] : memref<512xi32, #tpu.memory_space<vmem>> -> memref<128xi32, #tpu.memory_space<vmem>>
      %dma_wait3A_370 = arith.constant 0 : i32
      %dma_wait3A_371 = arith.constant 0 : i32
      %dma_wait3A_372 = tpu.memref_slice %arg3[%dma_wait3A_370, %dma_wait3A_371] : memref<1000000x64xf32, #tpu.memory_space<hbm>> -> memref<1000000x64xf32, #tpu.memory_space<hbm>>
      %dma_wait3A_373 = tpu.memref_slice %arg7[%dma_wait3A_357] : memref<2x!tpu.dma_semaphore, #tpu.memory_space<semaphore_mem>> -> memref<1x!tpu.dma_semaphore, #tpu.memory_space<semaphore_mem>>
      %dma_wait3A_374 = tpu.memref_squeeze %dma_wait3A_373 : memref<1x!tpu.dma_semaphore, #tpu.memory_space<semaphore_mem>> -> memref<!tpu.dma_semaphore, #tpu.memory_space<semaphore_mem>>
      tpu.wait_indirect_dma semaphore(%dma_wait3A_374 : memref<!tpu.dma_semaphore, #tpu.memory_space<semaphore_mem>>) src(%dma_wait3A_372 : memref<1000000x64xf32, #tpu.memory_space<hbm>>) dst(%dma_wait3A_364 : memref<128x64xf32, #tpu.memory_space<vmem>>)
      %dma_wait3A_375 = arith.constant 1 : i32
      %dma_wait3A_376 = arith.constant 1 : i32
      %dma_wait3A_377 = arith.constant 1 : i32
      %dma_wait3A_378 = arith.constant 0 : i32
      %dma_wait3A_379 = arith.constant 0 : i32
      %dma_wait3A_380 = tpu.memref_slice %arg6[%dma_wait3A_376, %dma_wait3A_378, %dma_wait3A_379] : memref<2x512x64xf32, #tpu.memory_space<vmem>> -> memref<1x512x64xf32, #tpu.memory_space<vmem>>
      %dma_wait3A_381 = tpu.memref_squeeze %dma_wait3A_380 : memref<1x512x64xf32, #tpu.memory_space<vmem>> -> memref<512x64xf32, #tpu.memory_space<vmem>>
      %dma_wait3A_382 = arith.constant 384 : i32
      %dma_wait3A_383 = arith.constant 0 : i32
      %dma_wait3A_384 = tpu.memref_slice %dma_wait3A_381[%dma_wait3A_382, %dma_wait3A_383] : memref<512x64xf32, #tpu.memory_space<vmem>> -> memref<128x64xf32, #tpu.memory_space<vmem>>
      %dma_wait3A_385 = arith.constant 0 : i32
      %dma_wait3A_386 = tpu.memref_slice %arg5[%dma_wait3A_375, %dma_wait3A_385] : memref<2x512xi32, #tpu.memory_space<vmem>> -> memref<1x512xi32, #tpu.memory_space<vmem>>
      %dma_wait3A_387 = tpu.memref_squeeze %dma_wait3A_386 : memref<1x512xi32, #tpu.memory_space<vmem>> -> memref<512xi32, #tpu.memory_space<vmem>>
      %dma_wait3A_388 = arith.constant 384 : i32
      %dma_wait3A_389 = tpu.memref_slice %dma_wait3A_387[%dma_wait3A_388] : memref<512xi32, #tpu.memory_space<vmem>> -> memref<128xi32, #tpu.memory_space<vmem>>
      %dma_wait3A_390 = arith.constant 0 : i32
      %dma_wait3A_391 = arith.constant 0 : i32
      %dma_wait3A_392 = tpu.memref_slice %arg3[%dma_wait3A_390, %dma_wait3A_391] : memref<1000000x64xf32, #tpu.memory_space<hbm>> -> memref<1000000x64xf32, #tpu.memory_space<hbm>>
      %dma_wait3A_393 = tpu.memref_slice %arg7[%dma_wait3A_377] : memref<2x!tpu.dma_semaphore, #tpu.memory_space<semaphore_mem>> -> memref<1x!tpu.dma_semaphore, #tpu.memory_space<semaphore_mem>>
      %dma_wait3A_394 = tpu.memref_squeeze %dma_wait3A_393 : memref<1x!tpu.dma_semaphore, #tpu.memory_space<semaphore_mem>> -> memref<!tpu.dma_semaphore, #tpu.memory_space<semaphore_mem>>
      tpu.wait_indirect_dma semaphore(%dma_wait3A_394 : memref<!tpu.dma_semaphore, #tpu.memory_space<semaphore_mem>>) src(%dma_wait3A_392 : memref<1000000x64xf32, #tpu.memory_space<hbm>>) dst(%dma_wait3A_384 : memref<128x64xf32, #tpu.memory_space<vmem>>)
      %dma_start3A_395 = arith.constant 1 : i32
      %dma_start3A_396 = arith.constant 1 : i32
      %dma_start3A_397 = arith.constant 0 : i32
      %dma_start3A_398 = arith.constant 0 : i32
      %dma_start3A_399 = tpu.memref_slice %arg6[%dma_start3A_395, %dma_start3A_397, %dma_start3A_398] : memref<2x512x64xf32, #tpu.memory_space<vmem>> -> memref<1x512x64xf32, #tpu.memory_space<vmem>>
      %dma_start3A_400 = tpu.memref_squeeze %dma_start3A_399 : memref<1x512x64xf32, #tpu.memory_space<vmem>> -> memref<512x64xf32, #tpu.memory_space<vmem>>
      %dma_start3A_401 = arith.constant 0 : i32
      %dma_start3A_402 = tpu.memref_slice %arg4[%add3A_129, %mul3A_2, %dma_start3A_401] : memref<200x16384x128xf32, #tpu.memory_space<hbm>> -> memref<1x512x64xf32, #tpu.memory_space<hbm>>
      %dma_start3A_403 = tpu.memref_squeeze %dma_start3A_402 : memref<1x512x64xf32, #tpu.memory_space<hbm>> -> memref<512x64xf32, #tpu.memory_space<hbm>>
      %dma_start3A_404 = tpu.memref_slice %arg8[%dma_start3A_396] : memref<2x!tpu.dma_semaphore, #tpu.memory_space<semaphore_mem>> -> memref<1x!tpu.dma_semaphore, #tpu.memory_space<semaphore_mem>>
      %dma_start3A_405 = tpu.memref_squeeze %dma_start3A_404 : memref<1x!tpu.dma_semaphore, #tpu.memory_space<semaphore_mem>> -> memref<!tpu.dma_semaphore, #tpu.memory_space<semaphore_mem>>
      %dma_start3A_406 = arith.constant 0 : i32
      %dma_start3A_407 = tpu.memref_slice %arg4[%add3A_129, %mul3A_2, %dma_start3A_406] : memref<200x16384x128xf32, #tpu.memory_space<hbm>> -> memref<1x512x64xf32, #tpu.memory_space<hbm>>
      %dma_start3A_408 = tpu.memref_squeeze %dma_start3A_407 : memref<1x512x64xf32, #tpu.memory_space<hbm>> -> memref<512x64xf32, #tpu.memory_space<hbm>>
      %dma_start3A_409 = arith.constant 0 : i32
      %dma_start3A_410 = arith.constant 0 : i32
      %dma_start3A_411 = tpu.memref_slice %arg6[%dma_start3A_395, %dma_start3A_409, %dma_start3A_410] : memref<2x512x64xf32, #tpu.memory_space<vmem>> -> memref<1x512x64xf32, #tpu.memory_space<vmem>>
      %dma_start3A_412 = tpu.memref_squeeze %dma_start3A_411 : memref<1x512x64xf32, #tpu.memory_space<vmem>> -> memref<512x64xf32, #tpu.memory_space<vmem>>
      tpu.enqueue_dma source(%dma_start3A_412 : memref<512x64xf32, #tpu.memory_space<vmem>>) target(%dma_start3A_408 : memref<512x64xf32, #tpu.memory_space<hbm>>) target_semaphore(%dma_start3A_405 : memref<!tpu.dma_semaphore, #tpu.memory_space<semaphore_mem>>)
    }
    %scan3A_87 = arith.constant 100 : i32
    %dma_wait3A = arith.constant 0 : i32
    %dma_wait3A_88 = arith.constant 198 : i32
    %dma_wait3A_89 = arith.constant 0 : i32
    %dma_wait3A_90 = arith.constant 0 : i32
    %dma_wait3A_91 = arith.constant 0 : i32
    %dma_wait3A_92 = tpu.memref_slice %arg6[%dma_wait3A, %dma_wait3A_90, %dma_wait3A_91] : memref<2x512x64xf32, #tpu.memory_space<vmem>> -> memref<1x512x64xf32, #tpu.memory_space<vmem>>
    %dma_wait3A_93 = tpu.memref_squeeze %dma_wait3A_92 : memref<1x512x64xf32, #tpu.memory_space<vmem>> -> memref<512x64xf32, #tpu.memory_space<vmem>>
    %dma_wait3A_94 = arith.constant 0 : i32
    %dma_wait3A_95 = tpu.memref_slice %arg4[%dma_wait3A_88, %mul3A_2, %dma_wait3A_94] : memref<200x16384x128xf32, #tpu.memory_space<hbm>> -> memref<1x512x64xf32, #tpu.memory_space<hbm>>
    %dma_wait3A_96 = tpu.memref_squeeze %dma_wait3A_95 : memref<1x512x64xf32, #tpu.memory_space<hbm>> -> memref<512x64xf32, #tpu.memory_space<hbm>>
    %dma_wait3A_97 = tpu.memref_slice %arg8[%dma_wait3A_89] : memref<2x!tpu.dma_semaphore, #tpu.memory_space<semaphore_mem>> -> memref<1x!tpu.dma_semaphore, #tpu.memory_space<semaphore_mem>>
    %dma_wait3A_98 = tpu.memref_squeeze %dma_wait3A_97 : memref<1x!tpu.dma_semaphore, #tpu.memory_space<semaphore_mem>> -> memref<!tpu.dma_semaphore, #tpu.memory_space<semaphore_mem>>
    %dma_wait3A_99 = arith.constant 0 : i32
    %dma_wait3A_100 = tpu.memref_slice %arg4[%dma_wait3A_88, %mul3A_2, %dma_wait3A_99] : memref<200x16384x128xf32, #tpu.memory_space<hbm>> -> memref<1x512x64xf32, #tpu.memory_space<hbm>>
    %dma_wait3A_101 = tpu.memref_squeeze %dma_wait3A_100 : memref<1x512x64xf32, #tpu.memory_space<hbm>> -> memref<512x64xf32, #tpu.memory_space<hbm>>
    %dma_wait3A_102 = arith.constant 0 : i32
    %dma_wait3A_103 = arith.constant 0 : i32
    %dma_wait3A_104 = tpu.memref_slice %arg6[%dma_wait3A, %dma_wait3A_102, %dma_wait3A_103] : memref<2x512x64xf32, #tpu.memory_space<vmem>> -> memref<1x512x64xf32, #tpu.memory_space<vmem>>
    %dma_wait3A_105 = tpu.memref_squeeze %dma_wait3A_104 : memref<1x512x64xf32, #tpu.memory_space<vmem>> -> memref<512x64xf32, #tpu.memory_space<vmem>>
    tpu.wait_dma2 semaphore(%dma_wait3A_98 : memref<!tpu.dma_semaphore, #tpu.memory_space<semaphore_mem>>) src(%dma_wait3A_105 : memref<512x64xf32, #tpu.memory_space<vmem>>) dst(%dma_wait3A_101 : memref<512x64xf32, #tpu.memory_space<hbm>>)
    %dma_wait3A_106 = arith.constant 1 : i32
    %dma_wait3A_107 = arith.constant 199 : i32
    %dma_wait3A_108 = arith.constant 1 : i32
    %dma_wait3A_109 = arith.constant 0 : i32
    %dma_wait3A_110 = arith.constant 0 : i32
    %dma_wait3A_111 = tpu.memref_slice %arg6[%dma_wait3A_106, %dma_wait3A_109, %dma_wait3A_110] : memref<2x512x64xf32, #tpu.memory_space<vmem>> -> memref<1x512x64xf32, #tpu.memory_space<vmem>>
    %dma_wait3A_112 = tpu.memref_squeeze %dma_wait3A_111 : memref<1x512x64xf32, #tpu.memory_space<vmem>> -> memref<512x64xf32, #tpu.memory_space<vmem>>
    %dma_wait3A_113 = arith.constant 0 : i32
    %dma_wait3A_114 = tpu.memref_slice %arg4[%dma_wait3A_107, %mul3A_2, %dma_wait3A_113] : memref<200x16384x128xf32, #tpu.memory_space<hbm>> -> memref<1x512x64xf32, #tpu.memory_space<hbm>>
    %dma_wait3A_115 = tpu.memref_squeeze %dma_wait3A_114 : memref<1x512x64xf32, #tpu.memory_space<hbm>> -> memref<512x64xf32, #tpu.memory_space<hbm>>
    %dma_wait3A_116 = tpu.memref_slice %arg8[%dma_wait3A_108] : memref<2x!tpu.dma_semaphore, #tpu.memory_space<semaphore_mem>> -> memref<1x!tpu.dma_semaphore, #tpu.memory_space<semaphore_mem>>
    %dma_wait3A_117 = tpu.memref_squeeze %dma_wait3A_116 : memref<1x!tpu.dma_semaphore, #tpu.memory_space<semaphore_mem>> -> memref<!tpu.dma_semaphore, #tpu.memory_space<semaphore_mem>>
    %dma_wait3A_118 = arith.constant 0 : i32
    %dma_wait3A_119 = tpu.memref_slice %arg4[%dma_wait3A_107, %mul3A_2, %dma_wait3A_118] : memref<200x16384x128xf32, #tpu.memory_space<hbm>> -> memref<1x512x64xf32, #tpu.memory_space<hbm>>
    %dma_wait3A_120 = tpu.memref_squeeze %dma_wait3A_119 : memref<1x512x64xf32, #tpu.memory_space<hbm>> -> memref<512x64xf32, #tpu.memory_space<hbm>>
    %dma_wait3A_121 = arith.constant 0 : i32
    %dma_wait3A_122 = arith.constant 0 : i32
    %dma_wait3A_123 = tpu.memref_slice %arg6[%dma_wait3A_106, %dma_wait3A_121, %dma_wait3A_122] : memref<2x512x64xf32, #tpu.memory_space<vmem>> -> memref<1x512x64xf32, #tpu.memory_space<vmem>>
    %dma_wait3A_124 = tpu.memref_squeeze %dma_wait3A_123 : memref<1x512x64xf32, #tpu.memory_space<vmem>> -> memref<512x64xf32, #tpu.memory_space<vmem>>
    tpu.wait_dma2 semaphore(%dma_wait3A_117 : memref<!tpu.dma_semaphore, #tpu.memory_space<semaphore_mem>>) src(%dma_wait3A_124 : memref<512x64xf32, #tpu.memory_space<vmem>>) dst(%dma_wait3A_120 : memref<512x64xf32, #tpu.memory_space<hbm>>)
    return
  }
}

</mosaic_0001>

<sc_bundles>
// kernel: run.3.cloned.1.call-start
scs
__scs_entry_jumppad:
0x0: {  	(pc) =	sbr.rel $0x88, $3  }
0x1: {  	(tag) =	ssettag $0x0;
	lr =	simm.s32 $0x1  }
0x2: {  	[smem:$0x3F9F] =	sst lr;
	_ =	strace $0xD0000000  }
0x3: {  	_ = 	snop  }
0x4: {  	_ = 	snop  }
0x5: {  	_ = 	snop  }
0x6: {  	_ = 	snop  }
0x7: {  	_ = 	snop  }
__scs_overlays_trampoline_lowered:
0x8: {  	[smem:$0x3FAE] =	sst s0  }
0x9: {  	[smem:$0x3FAF] =	sst s1  }
0xa: {  	[smem:$0x3FB0] =	sst s2  }
0xb: {  	[smem:$0x3FB1] =	sst s3  }
0xc: {  	[smem:$0x3FB2] =	sst s4  }
0xd: {  	[smem:$0x3FB3] =	sst s5  }
0xe: {  	[smem:$0x3FB4] =	sst s6  }
0xf: {  	[smem:$0x3FB5] =	sst s7  }
0x10: {  	[smem:$0x3FB6] =	sst s8  }
0x11: {  	[smem:$0x3FB7] =	sst s9;
	s0 =	simm.s32 @!p0 $0x0  }
0x12: {  	s1 =	sld [smem:$0x3F9D];
	s0 =	simm.s32 @p0 $0x1  }
0x13: {  	[smem:$0x3FB8] =	sst s0;
	s0 =	simm.s32 @!p1 $0x0  }
0x14: {  	s2 =	sld [smem:$0x3F9C];
	s0 =	simm.s32 @p1 $0x1  }
0x15: {  	[smem:$0x3FB9] =	sst s0;
	s0 =	simm.s32 @!p2 $0x0  }
0x16: {  	s3 =	sld [smem:$0x3FDB];
	s0 =	simm.s32 @p2 $0x1  }
0x17: {  	s4 =	simm.s32 $0x1BF5;
	[smem:$0x3FBB] =	sst s0  }
0x18: {  	s0 =	sld [smem:$0x3F9E];
	_ =	swait.ge [sflag:s4], $0x0  }
0x19: {  	s7 =	sld [smem:$0x3F9F]  }
0x1a: {  	s8 =	sadd.s32 $0xFFFFE003, lr  }
0x1b: {  	s9 =	sadd.s32 $0xFFFFFEF7, lr;
	s5 =	simm.s32 $0xFFFFFFFF;
	p2 =	slt.u32 s8, $0xFFFFF086  }
0x1c: {  	p1 =	slt.u32 s9, $0xF7A;
	s5 =	simm.s32 @!p2 $0x0  }
0x1d: {  	s5 =	simm.s32 @p1 $0x1;
	p0 =	seq.s32 s7, s2  }
0x1e: {  	s7 =	smul.u32 @!p0 $0xF7A, s2;
	p2 =	seq.s32 @!p0 s5, $0x0  }
0x1f: {  	s9 =	smul.u32 $0xF7A, s1;
	s8 =	simm.s32 @!p0 $0x1BF5;
	p2 =	por !p2, p0  }
0x20: {  	[sflag:s8] =	ssyncset.s32 @!p0 $0xFFFFF086;
	s6 =	sadd.s32 @!p0 s3, s7;
	s7 =	simm.s32 @!p0 $0x108  }
0x21: {  	s3 =	sadd.s32 s3, s9;
	s6 =	sadd.s32 @!p0 $0x88, s6;
	s7 =	simm.s32 @p2 $0x1082  }
0x22: {  	[simem:s7], [sflag:s8] =	dma.local @!p0 [hbm:s6], $0xF7A  }
0x23: {  	s9 =	sor.u32 $0xD0000000, s2;
	s6 =	simm.s32 $0x108;
	_ =	swait.ge @!p0 [sflag:s8], $0x0  }
0x24: {  	s3 =	sadd.s32 $0x88, s3;
	s6 =	simm.s32 @!p1 $0x1082;
	[sflag:s4] =	ssyncset.s32 $0xFFFFF086  }
0x25: {  	[simem:s6], [sflag:s4] =	dma.local [hbm:s3], $0xF7A  }
0x26: {  	[smem:$0x3F9F] =	sst s1;
	(tag) =	ssettag s2;
	_ =	strace s9  }
0x27: {  	s1 =	sld [smem:$0x3FAF]  }
0x28: {  	s2 =	sld [smem:$0x3FB0]  }
0x29: {  	s4 =	sld [smem:$0x3FB2]  }
0x2a: {  	p0 =	seq.s32 s5, $0x0;
	s5 =	sld [smem:$0x3FB3]  }
0x2b: {  	s6 =	sld [smem:$0x3FB4]  }
0x2c: {  	s7 =	sld [smem:$0x3FB5]  }
0x2d: {  	s3 =	simm.s32 $0x108;
	s8 =	sld [smem:$0x3FB6]  }
0x2e: {  	s3 =	simm.s32 @!p0 $0x1082;
	s9 =	sld [smem:$0x3FB7]  }
0x2f: {  	lr =	sadd.s32 s0, s3;
	s0 =	sld [smem:$0x3FAE]  }
0x30: {  	s3 =	sld [smem:$0x3FB1]  }
0x31: {  	[smem:$0x3FBA] =	sst s10  }
0x32: {  	s10 =	sld [smem:$0x3FB8];
	_ =	sdelay $0x3  }
0x33: {  	p0 =	seq.s32 s10, $0x1;
	s10 =	sld [smem:$0x3FBA];
	_ =	sdelay $0x3  }
0x34: {  	[smem:$0x3FBA] =	sst s10  }
0x35: {  	s10 =	sld [smem:$0x3FB9];
	_ =	sdelay $0x3  }
0x36: {  	p1 =	seq.s32 s10, $0x1;
	s10 =	sld [smem:$0x3FBA];
	_ =	sdelay $0x3  }
0x37: {  	[smem:$0x3FBA] =	sst s10  }
0x38: {  	s10 =	sld [smem:$0x3FBB]  }
0x39: {  	_ = 	snop;
	(pc) =	sbr.ind lr, $3  }
0x3a: {  	_ = 	snop  }
0x3b: {  	_ = 	snop  }
0x3c: {  	p2 =	seq.s32 s10, $0x1;
	s10 =	sld [smem:$0x3FBA]  }
0x3d: {  	_ =	shalt  }
0x3e: {  	_ =	shalt  }
0x3f: {  	_ =	shalt  }
0x40: {  	_ =	shalt  }
0x41: {  	_ =	shalt  }
0x42: {  	_ =	shalt  }
0x43: {  	_ =	shalt  }
0x44: {  	_ =	shalt  }
0x45: {  	_ =	shalt  }
0x46: {  	_ =	shalt  }
0x47: {  	_ =	shalt  }
0x48: {  	_ =	shalt  }
0x49: {  	_ =	shalt  }
0x4a: {  	_ =	shalt  }
0x4b: {  	_ =	shalt  }
0x4c: {  	_ =	shalt  }
0x4d: {  	_ =	shalt  }
0x4e: {  	_ =	shalt  }
0x4f: {  	_ =	shalt  }
0x50: {  	_ =	shalt  }
0x51: {  	_ =	shalt  }
0x52: {  	_ =	shalt  }
0x53: {  	_ =	shalt  }
0x54: {  	_ =	shalt  }
0x55: {  	_ =	shalt  }
0x56: {  	_ =	shalt  }
0x57: {  	_ =	shalt  }
0x58: {  	_ =	shalt  }
0x59: {  	_ =	shalt  }
0x5a: {  	_ =	shalt  }
0x5b: {  	_ =	shalt  }
0x5c: {  	_ =	shalt  }
0x5d: {  	_ =	shalt  }
0x5e: {  	_ =	shalt  }
0x5f: {  	_ =	shalt  }
0x60: {  	_ =	shalt  }
0x61: {  	_ =	shalt  }
0x62: {  	_ =	shalt  }
0x63: {  	_ =	shalt  }
0x64: {  	_ =	shalt  }
0x65: {  	_ =	shalt  }
0x66: {  	_ =	shalt  }
0x67: {  	_ =	shalt  }
0x68: {  	_ =	shalt  }
0x69: {  	_ =	shalt  }
0x6a: {  	_ =	shalt  }
0x6b: {  	_ =	shalt  }
0x6c: {  	_ =	shalt  }
0x6d: {  	_ =	shalt  }
0x6e: {  	_ =	shalt  }
0x6f: {  	_ =	shalt  }
0x70: {  	_ =	shalt  }
0x71: {  	_ =	shalt  }
0x72: {  	_ =	shalt  }
0x73: {  	_ =	shalt  }
0x74: {  	_ =	shalt  }
0x75: {  	_ =	shalt  }
0x76: {  	_ =	shalt  }
0x77: {  	_ =	shalt  }
0x78: {  	_ =	shalt  }
0x79: {  	_ =	shalt  }
0x7a: {  	_ =	shalt  }
0x7b: {  	_ =	shalt  }
0x7c: {  	_ =	shalt  }
0x7d: {  	_ =	shalt  }
0x7e: {  	_ =	shalt  }
0x7f: {  	_ =	shalt  }
0x80: {  	_ =	shalt  }
0x81: {  	_ =	shalt  }
0x82: {  	_ =	shalt  }
0x83: {  	_ =	shalt  }
0x84: {  	_ =	shalt  }
0x85: {  	_ =	shalt  }
0x86: {  	_ =	shalt  }
0x87: {  	_ =	shalt  }
.Lfunc_end0:
.L_simem_size_0:
called_computation.1_lowered:
.L_overlay_start_0:
0x88: {  	s2 =	sld [smem:$0x3FD9]  }
0x89: {  	s3 =	sld [smem:$0x3FFE];
	_ =	sdelay $0x1  }
0x8a: {  	s1 =	srdreg.scid  }
0x8b: {  	s0 =	sand.u32 $0x1, s1  }
0x8c: {  	s16 =	sshll.u32 s0, $0xA;
	s2 =	sadd.s32 s3, s2  }
0x8d: {  	s2 =	sadd.s32 s2, s16  }
0x8e: {  	[smem:$0x3FC6] =	sst s2  }
0x8f: {  	_ = 	snop  }
0x90: {  	(tm) =	ssettm $0x1  }
0x91: {  	s17 =	sld [smem:$0x3FFB];
	_ =	sdelay $0x3  }
0x92: {  	_ =	strace s17  }
0x93: {  	s2 =	sld [smem:$0x3FFC];
	_ =	sdelay $0x3  }
0x94: {  	_ =	strace s2  }
0x95: {  	s2 =	sld [smem:$0x3FFD];
	_ =	sdelay $0x3  }
0x96: {  	_ =	strace s2  }
0x97: {  	_ =	strace $0x8FFFFFFF  }
0x98: {  	s18 =	sld [smem:$0x3FDB];
	_ =	sdelay $0x1  }
0x99: {  	s19 =	simm.s32 $_scs_section_size  }
0x9a: {  	s4 =	simm.s32 $_size__tile_overlayer_lowered;
	s5 =	simm.s32 $_tile_overlayer_lowered  }
0x9b: {  	s22 =	simm.s32 $0x1BFF;
	s21 =	sshll.u32 s5, $0x1;
	s2 =	sadd.s32 s19, s18  }
0x9c: {  	s6 =	simm.s32 $0x0;
	s20 =	sshll.u32 s4, $0x1;
	s4 =	sadd.s32 s21, s2  }
0x9d: {  	[timem:s6], [sflag:s22] =	dma.local [hbm:s4], s20  }
0x9e: {  	_ =	swait.ge [sflag:s22], s20  }
0x9f: {  	s3 =	ssub.s32 $0x0, s20;
	[sflag:s22] =	ssyncset.done $0x0  }
0xa0: {  	[sflag:s22] =	ssyncadd.s32 s3;
	_ =	sdelay $0x1  }
0xa1: {  	s23 =	simm.s32 $0x1B8B  }
0xa2: {  	_ =	swait.ge [sflag:s23], $0x1  }
0xa3: {  	[sflag:s23] =	ssyncset.done $0x0  }
0xa4: {  	s25 =	simm.s32 $0x1B8E;
	s24 =	sld [smem:$0x3FFE];
	[sflag:s23] =	ssyncadd.s32 $0xFFFFFFFF  }
0xa5: {  	s26 =	simm.s32 $execute0_lowered;
	[smem:$0x3FD2] =	sst s25  }
0xa6: {  	s4 =	sshll.u32 s26, $0x1;
	_ =	strace $0x80000046;
	[dreg:$0x1] =	wrdreg $0xFFFFFFFF  }
0xa7: {  	s28 =	simm.s32 $_size_execute0_lowered;
	s2 =	sadd.s32 s2, s4;
	[dreg:$0x0] =	wrdreg $0x0  }
0xa8: {  	s4 =	sshll.u32 s28, $0x1;
	[dreg:$0x2] =	wrdreg s2  }
0xa9: {  	[dreg:$0x3] =	wrdreg s4  }
0xaa: {  	[dreg:$0x4] =	wrdreg $0xC0  }
0xab: {  	_ =	task [dreg:s6], $0x5FFFF  }
0xac: {  	[dreg:$0x1] =	wrdreg $0xFFFFFFFF  }
0xad: {  	[dreg:$0x0] =	wrdreg $0x60  }
0xae: {  	[dreg:$0x2] =	wrdreg s24  }
0xaf: {  	[dreg:$0x3] =	wrdreg $0x9  }
0xb0: {  	_ =	task.clear_ibuf [dreg:s6], $0x4FFFF;
	_ =	strace $0x90000046  }
0xb1: {  	s29 =	simm.s32 $0x9;
	_ =	strace $0x80000048  }
0xb2: {  	_ =	swait.ge [sflag:s29], $0x1  }
0xb3: {  	[sflag:s29] =	ssyncadd.s32 $0xFFFFFFFF  }
0xb4: {  	_ =	strace $0x90000048  }
0xb5: {  	_ =	sfence  }
0xb6: {  	s30 =	sld [smem:$0x0];
	_ =	sdelay $0x2  }
0xb7: {  	s31 =	sshll.u32 s1, $0xD;
	s1 =	sshrl.u32 s1, $0x2  }
0xb8: {  	s3 =	sand.u32 $0x4000, s31;
	s1 =	sadd.s32 s1, s30  }
0xb9: {  	s0 =	sor.u32 s3, s0;
	s1 =	sshll.u32 s1, $0x11  }
0xba: {  	s0 =	sor.u32 s1, s0  }
0xbb: {  	s0 =	sadd.s32 $0x8F2B, s0  }
0xbc: {  	[sflag:s0] =	ssyncadd.remote.s32 $0x1  }
0xbd: {  	_ =	sfence.sel $0xFFFF  }
0xbe: {  	[dreg:$0x0] =	wrdreg $0xFFFFFFFF;
	(pc) =	sbr.abs _section_cstart, $3  }
0xbf: {  	[dreg:$0x1] =	wrdreg $0xFFFFFFFF  }
0xc0: {  	_ =	task.clear_ibuf [dreg:s6], $0x2FFFF;
	_ =	strace $0x9FFFFFFF  }
0xc1: {  	(tm) =	ssettm $0x7FFFFFFF  }
tec
execute0_lowered:
.L_overlay_start_1:
0x0: {  	(tag) =	ssettag $0x1  }
0x1: {  	s0 =	rddreg [dreg:$0x0]  }
0x2: {  	s1 =	simm.s32 $0x0;
	s2 =	srdreg.scid;
	s9 =	stileid.u32  }
0x3: {  	s10 =	simm.s32 $0x80;
	s11 =	simm.s32 $0x400;
	s28 =	simm.s32 $0x280  }
0x4: {  	s16 =	simm.s32 $0x6400;
	s29 =	simm.s32 $0xA400;
	s17 =	simm.s32 $0x200  }
0x5: {  	s30 =	simm.s32 $0x300;
	s18 =	simm.s32 $0x8400;
	s31 =	simm.s32 $0xC400  }
0x6: {  	s19 =	simm.s32 $0x380;
	s20 =	simm.s32 $0xE400;
	s21 =	simm.s32 $0x1  }
0x7: {  	s22 =	simm.s32 $0x40;
	[smem:$0x7FF] =	sst s1;
	s3 =	sadd.s32 $0x800, s0  }
0x8: {  	s4 =	sadd.s32 $0x64800, s0;
	s2 =	sand.u32 $0x1, s2;
	s0 =	sadd.s32 $0x805A00, s0  }
0x9: {  	s7 =	sshll.u32 s9, $0xA;
	_ =	strace $0x80000047;
	[dreg:$0x4] =	wrdreg s28  }
0xa: {  	s23 =	sshll.u32 s9, $0x11;
	s9 =	simm.s32 $0x5;
	[dreg:$0x5] =	wrdreg s29  }
0xb: {  	s5 =	ssub.s32 $0x2, s2;
	s8 =	sshll.u32 s2, $0x9;
	[dreg:$0x6] =	wrdreg s30  }
0xc: {  	s2 =	sshll.u32 s2, $0x10;
	[dreg:$0x7] =	wrdreg s31;
	s6 =	sshrl.u32 s5, $0x1  }
0xd: {  	s7 =	sor.u32 s8, s7;
	s2 =	sor.u32 s2, s23;
	s23 =	simm.s32 $0x2  }
0xe: {  	s6 =	ssub.s32 s5, s6;
	s24 =	sshrl.u32 s7, $0x3;
	s8 =	sshrl.u32 s2, $0x3  }
0xf: {  	s2 =	sor.u32 $0x200000, s2;
	s25 =	sor.u32 $0x4000, s7;
	s7 =	sor.u32 $0x8000, s7  }
0x10: {  	s5 =	sadd.s32 s3, s24;
	s6 =	smax.u32 s6, $0x1;
	s8 =	sadd.s32 s8, s0  }
0x11: {  	s2 =	sshrl.u32 s2, $0x3;
	s26 =	sshrl.u32 s25, $0x3;
	s24 =	simm.s32 $0x3  }
0x12: {  	s25 =	simm.s32 $0x4;
	[dreg:$0x2] =	wrdreg s8;
	s0 =	sadd.s32 s2, s0  }
0x13: {  	s8 =	sadd.s32 s26, s3;
	s26 =	simm.s32 $0x0;
	[dreg:$0x3] =	wrdreg s0  }
.LBB2_1:
0x14: {  	[tilespmem:s1], [sflag:$0x5] =	stream.linear.gather [hbm4b:s5+s1], $0x200, $0x38;
	[tilespmem:$0x10400] =	vst v63  }
0x15: {  	_ =	swait.ge [sflag:s9], $0x200  }
0x16: {  	[sflag:s9] =	ssyncset.done $0x0  }
0x17: {  	[sflag:s9] =	ssyncadd.s32 $0xFFFFFE00  }
0x18: {  	[tilespmem:s11], [sflag:$0x1] =	stream.indirect.gather [hbm4b:s4+s10], $0x40, s1, s10, $0xb8;
	[tilespmem:$0x10400] =	vst v63  }
0x19: {  	s0 =	simm.s32 $0x2400;
	p0 =	por $0x1, $0x1  }
0x1a: {  	[tilespmem:s0], [sflag:$0x1] =	stream.indirect.gather [hbm4b:s4+s10], $0x40, s10, s10, $0xb8;
	[tilespmem:$0x10400] =	vst v63  }
0x1b: {  	s15 =	simm.s32 $0x100;
	s2 =	simm.s32 $0x4400;
	p0 =	por p0, p0  }
0x1c: {  	[tilespmem:s2], [sflag:$0x1] =	stream.indirect.gather [hbm4b:s4+s10], $0x40, s15, s10, $0xb8;
	[tilespmem:$0x10400] =	vst v63  }
0x1d: {  	s12 =	simm.s32 $0x180;
	s0 =	simm.s32 @!p0 $0x4  }
0x1e: {  	[tilespmem:s16], [sflag:$0x1] =	stream.indirect.gather [hbm4b:s4+s10], $0x40, s12, s10, $0xb8;
	[tilespmem:$0x10400] =	vst v63  }
0x1f: {  	_ =	swait.ge @!p0 [sflag:s0], $0x8000  }
0x20: {  	[sflag:s0] =	ssyncset.done @!p0 $0x0  }
0x21: {  	[sflag:s0] =	ssyncadd.s32 @!p0 $0xFFFF8000  }
0x22: {  	[tilespmem:s17], [sflag:$0x5] =	stream.linear.gather [hbm4b:s8+s1], $0x200, $0x38;
	[tilespmem:$0x10400] =	vst v63  }
0x23: {  	_ =	swait.ge [sflag:s9], $0x200  }
0x24: {  	s13 =	rddreg [dreg:$0x6];
	[sflag:s9] =	ssyncset.done $0x0  }
0x25: {  	s14 =	rddreg [dreg:$0x4];
	[sflag:s9] =	ssyncadd.s32 $0xFFFFFE00  }
0x26: {  	[tilespmem:s18], [sflag:$0x2] =	stream.indirect.gather [hbm4b:s4+s10], $0x40, s17, s10, $0xb8;
	[tilespmem:$0x10400] =	vst v63  }
0x27: {  	s28 =	rddreg [dreg:$0x5]  }
0x28: {  	[tilespmem:s28], [sflag:$0x2] =	stream.indirect.gather [hbm4b:s4+s10], $0x40, s14, s10, $0xb8;
	[tilespmem:$0x10400] =	vst v63  }
0x29: {  	s29 =	rddreg [dreg:$0x7]  }
0x2a: {  	[tilespmem:s29], [sflag:$0x2] =	stream.indirect.gather [hbm4b:s4+s10], $0x40, s13, s10, $0xb8;
	[tilespmem:$0x10400] =	vst v63  }
0x2b: {  	_ = 	snop  }
0x2c: {  	[tilespmem:s20], [sflag:$0x2] =	stream.indirect.gather [hbm4b:s4+s10], $0x40, s19, s10, $0xb8;
	[tilespmem:$0x10400] =	vst v63  }
0x2d: {  	_ =	swait.ge [sflag:s21], $0x2000  }
0x2e: {  	[sflag:s21] =	ssyncset.done $0x0  }
0x2f: {  	[sflag:s21] =	ssyncadd.s32 $0xFFFFE000  }
0x30: {  	_ =	swait.ge [sflag:s21], $0x2000  }
0x31: {  	[sflag:s21] =	ssyncset.done $0x0  }
0x32: {  	[sflag:s21] =	ssyncadd.s32 $0xFFFFE000  }
0x33: {  	_ =	swait.ge [sflag:s21], $0x2000  }
0x34: {  	[sflag:s21] =	ssyncset.done $0x0  }
0x35: {  	[sflag:s21] =	ssyncadd.s32 $0xFFFFE000  }
0x36: {  	_ =	swait.ge [sflag:s21], $0x2000  }
0x37: {  	p0 =	por $0x0, $0x0;
	s15 =	rddreg [dreg:$0x2];
	[sflag:s21] =	ssyncset.done $0x0  }
0x38: {  	s2 =	simm.s32 @!p0 $0x3;
	[sflag:s21] =	ssyncadd.s32 $0xFFFFE000;
	s0 =	sadd.s32 $0x0, s15  }
0x39: {  	[hbm4b:s0+s22] =	stream.strided.scatter [tilespmem:s11], [sflag:$0x3], $0x8000, s10, s22, $0x38;
	[tilespmem:$0x10400] =	vst v63  }
0x3a: {  	_ =	swait.ge @!p0 [sflag:s2], $0x8000  }
0x3b: {  	s28 =	simm.s32 @!p0 $0x0;
	s0 =	sshrl.u32 @!p0 s7, $0x3;
	[sflag:s2] =	ssyncset.done @!p0 $0x0  }
0x3c: {  	s0 =	sadd.s32 @!p0 s3, s0;
	[sflag:s2] =	ssyncadd.s32 @!p0 $0xFFFF8000;
	s2 =	simm.s32 @!p0 $0x5  }
0x3d: {  	[tilespmem:s28], [sflag:$0x5] =	stream.linear.gather @!p0 [hbm4b:s0+s28], $0x200, $0x38;
	[tilespmem:$0x10400] =	vst v63  }
0x3e: {  	_ =	swait.ge @!p0 [sflag:s2], $0x200  }
0x3f: {  	[sflag:s2] =	ssyncset.done @!p0 $0x0  }
0x40: {  	s29 =	simm.s32 @!p0 $0x400;
	s0 =	simm.s32 @!p0 $0x80;
	[sflag:s2] =	ssyncadd.s32 @!p0 $0xFFFFFE00  }
0x41: {  	[tilespmem:s29], [sflag:$0x1] =	stream.indirect.gather @!p0 [hbm4b:s4+s0], $0x40, s28, s0, $0xb8;
	[tilespmem:$0x10400] =	vst v63  }
0x42: {  	s2 =	simm.s32 @!p0 $0x2400  }
0x43: {  	[tilespmem:s2], [sflag:$0x1] =	stream.indirect.gather @!p0 [hbm4b:s4+s0], $0x40, s0, s0, $0xb8;
	[tilespmem:$0x10400] =	vst v63  }
0x44: {  	s28 =	simm.s32 @!p0 $0x4400;
	s2 =	simm.s32 @!p0 $0x100  }
0x45: {  	[tilespmem:s28], [sflag:$0x1] =	stream.indirect.gather @!p0 [hbm4b:s4+s0], $0x40, s2, s0, $0xb8;
	[tilespmem:$0x10400] =	vst v63  }
0x46: {  	s2 =	simm.s32 @!p0 $0x180;
	s28 =	simm.s32 @!p0 $0x6400  }
0x47: {  	[tilespmem:s28], [sflag:$0x1] =	stream.indirect.gather @!p0 [hbm4b:s4+s0], $0x40, s2, s0, $0xb8;
	[tilespmem:$0x10400] =	vst v63  }
0x48: {  	_ =	swait.ge [sflag:s23], $0x2000  }
0x49: {  	[sflag:s23] =	ssyncset.done $0x0  }
0x4a: {  	[sflag:s23] =	ssyncadd.s32 $0xFFFFE000  }
0x4b: {  	_ =	swait.ge [sflag:s23], $0x2000  }
0x4c: {  	[sflag:s23] =	ssyncset.done $0x0  }
0x4d: {  	[sflag:s23] =	ssyncadd.s32 $0xFFFFE000  }
0x4e: {  	_ =	swait.ge [sflag:s23], $0x2000  }
0x4f: {  	[sflag:s23] =	ssyncset.done $0x0  }
0x50: {  	p6 =	por $0x0, $0x0;
	s31 =	simm.s32 $0x100000;
	[sflag:s23] =	ssyncadd.s32 $0xFFFFE000  }
0x51: {  	s30 =	sadd.s32 $0x1000, s8;
	s29 =	sadd.s32 $0x8000, s7;
	_ =	swait.ge [sflag:s23], $0x2000  }
0x52: {  	s28 =	simm.s32 $0x80000;
	p0 =	por p6, p6;
	[sflag:s23] =	ssyncset.done $0x0  }
0x53: {  	s0 =	simm.s32 $0x0;
	s2 =	rddreg [dreg:$0x3];
	[sflag:s23] =	ssyncadd.s32 $0xFFFFE000  }
.LBB2_2:
0x54: {  	s12 =	simm.s32 @!p0 $0x4;
	s2 =	sadd.s32 s0, s2  }
0x55: {  	[hbm4b:s2+s22] =	stream.strided.scatter [tilespmem:s18], [sflag:$0x4], $0x8000, s10, s22, $0x38;
	[tilespmem:$0x10400] =	vst v63  }
0x56: {  	_ =	swait.ge @!p0 [sflag:s12], $0x8000  }
0x57: {  	[sflag:s12] =	ssyncset.done @!p0 $0x0  }
0x58: {  	[sflag:s12] =	ssyncadd.s32 @!p0 $0xFFFF8000  }
0x59: {  	[tilespmem:s17], [sflag:$0x5] =	stream.linear.gather [hbm4b:s30+s1], $0x200, $0x38;
	[tilespmem:$0x10400] =	vst v63  }
0x5a: {  	_ =	swait.ge [sflag:s9], $0x200  }
0x5b: {  	[sflag:s9] =	ssyncset.done $0x0;
	s2 =	rddreg [dreg:$0x6]  }
0x5c: {  	s15 =	rddreg [dreg:$0x4];
	[sflag:s9] =	ssyncadd.s32 $0xFFFFFE00  }
0x5d: {  	[tilespmem:s18], [sflag:$0x2] =	stream.indirect.gather [hbm4b:s4+s10], $0x40, s17, s10, $0xb8;
	[tilespmem:$0x10400] =	vst v63  }
0x5e: {  	s13 =	rddreg [dreg:$0x5]  }
0x5f: {  	[tilespmem:s13], [sflag:$0x2] =	stream.indirect.gather [hbm4b:s4+s10], $0x40, s15, s10, $0xb8;
	[tilespmem:$0x10400] =	vst v63  }
0x60: {  	s14 =	rddreg [dreg:$0x7]  }
0x61: {  	[tilespmem:s14], [sflag:$0x2] =	stream.indirect.gather [hbm4b:s4+s10], $0x40, s2, s10, $0xb8;
	[tilespmem:$0x10400] =	vst v63  }
0x62: {  	_ = 	snop  }
0x63: {  	[tilespmem:s20], [sflag:$0x2] =	stream.indirect.gather [hbm4b:s4+s10], $0x40, s19, s10, $0xb8;
	[tilespmem:$0x10400] =	vst v63  }
0x64: {  	_ =	swait.ge [sflag:s21], $0x2000  }
0x65: {  	[sflag:s21] =	ssyncset.done $0x0  }
0x66: {  	[sflag:s21] =	ssyncadd.s32 $0xFFFFE000  }
0x67: {  	_ =	swait.ge [sflag:s21], $0x2000  }
0x68: {  	[sflag:s21] =	ssyncset.done $0x0  }
0x69: {  	[sflag:s21] =	ssyncadd.s32 $0xFFFFE000  }
0x6a: {  	_ =	swait.ge [sflag:s21], $0x2000  }
0x6b: {  	[sflag:s21] =	ssyncset.done $0x0  }
0x6c: {  	p2 =	seq.s32 s31, $0x0;
	[sflag:s21] =	ssyncadd.s32 $0xFFFFE000  }
0x6d: {  	s0 =	smov.u32 s28;
	p0 =	por p2, p2;
	_ =	swait.ge [sflag:s21], $0x2000  }
0x6e: {  	p2 =	seq.s32 s0, $0x3180000;
	s15 =	rddreg [dreg:$0x2];
	[sflag:s21] =	ssyncset.done $0x0  }
0x6f: {  	s12 =	simm.s32 @!p2 $0x3;
	[sflag:s21] =	ssyncadd.s32 $0xFFFFE000;
	s2 =	sadd.s32 s0, s15  }
0x70: {  	[hbm4b:s2+s22] =	stream.strided.scatter [tilespmem:s11], [sflag:$0x3], $0x8000, s10, s22, $0x38;
	[tilespmem:$0x10400] =	vst v63  }
0x71: {  	s13 =	sshrl.u32 @!p2 s29, $0x3;
	_ =	swait.ge @!p2 [sflag:s12], $0x8000  }
0x72: {  	s2 =	sadd.s32 @!p2 s3, s13;
	[sflag:s12] =	ssyncset.done @!p2 $0x0  }
0x73: {  	s13 =	simm.s32 @!p2 $0x0;
	[sflag:s12] =	ssyncadd.s32 @!p2 $0xFFFF8000;
	s12 =	simm.s32 @!p2 $0x5  }
0x74: {  	[tilespmem:s13], [sflag:$0x5] =	stream.linear.gather @!p2 [hbm4b:s2+s13], $0x200, $0x38;
	[tilespmem:$0x10400] =	vst v63  }
0x75: {  	_ =	swait.ge @!p2 [sflag:s12], $0x200  }
0x76: {  	[sflag:s12] =	ssyncset.done @!p2 $0x0  }
0x77: {  	s14 =	simm.s32 @!p2 $0x400;
	s2 =	simm.s32 @!p2 $0x80;
	[sflag:s12] =	ssyncadd.s32 @!p2 $0xFFFFFE00  }
0x78: {  	[tilespmem:s14], [sflag:$0x1] =	stream.indirect.gather @!p2 [hbm4b:s4+s2], $0x40, s13, s2, $0xb8;
	[tilespmem:$0x10400] =	vst v63  }
0x79: {  	s12 =	simm.s32 @!p2 $0x2400  }
0x7a: {  	[tilespmem:s12], [sflag:$0x1] =	stream.indirect.gather @!p2 [hbm4b:s4+s2], $0x40, s2, s2, $0xb8;
	[tilespmem:$0x10400] =	vst v63  }
0x7b: {  	s13 =	simm.s32 @!p2 $0x100;
	s14 =	simm.s32 @!p2 $0x4400  }
0x7c: {  	[tilespmem:s14], [sflag:$0x1] =	stream.indirect.gather @!p2 [hbm4b:s4+s2], $0x40, s13, s2, $0xb8;
	[tilespmem:$0x10400] =	vst v63  }
0x7d: {  	s15 =	simm.s32 @!p2 $0x6400;
	s12 =	simm.s32 @!p2 $0x180  }
0x7e: {  	[tilespmem:s15], [sflag:$0x1] =	stream.indirect.gather @!p2 [hbm4b:s4+s2], $0x40, s12, s2, $0xb8;
	[tilespmem:$0x10400] =	vst v63  }
0x7f: {  	_ =	swait.ge [sflag:s23], $0x2000  }
0x80: {  	[sflag:s23] =	ssyncset.done $0x0  }
0x81: {  	[sflag:s23] =	ssyncadd.s32 $0xFFFFE000  }
0x82: {  	_ =	swait.ge [sflag:s23], $0x2000  }
0x83: {  	[sflag:s23] =	ssyncset.done $0x0  }
0x84: {  	s28 =	smov.u32 s31;
	s31 =	sadd.s32 $0x80000, s31;
	[sflag:s23] =	ssyncadd.s32 $0xFFFFE000  }
0x85: {  	p1 =	sne.s32 s31, $0x3200000;
	_ =	swait.ge [sflag:s23], $0x2000  }
.Ltmp0:
0x86: {  	[sflag:s23] =	ssyncset.done $0x0;
	(pc) =	sbr.rel @p1 .LBB2_2-.Ltmp0, $4  }
0x87: {  	[sflag:s23] =	ssyncadd.s32 $0xFFFFE000  }
0x88: {  	_ =	swait.ge [sflag:s23], $0x2000  }
0x89: {  	s30 =	sadd.s32 $0x1000, s30;
	[sflag:s23] =	ssyncset.done $0x0  }
0x8a: {  	s29 =	sadd.s32 $0x8000, s29;
	s2 =	rddreg [dreg:$0x3];
	[sflag:s23] =	ssyncadd.s32 $0xFFFFE000  }
0x8b: {  	s12 =	simm.s32 @!p0 $0x4;
	s0 =	sadd.s32 s0, s2  }
0x8c: {  	[hbm4b:s0+s22] =	stream.strided.scatter [tilespmem:s18], [sflag:$0x4], $0x8000, s10, s22, $0x38;
	[tilespmem:$0x10400] =	vst v63  }
0x8d: {  	_ =	swait.ge @!p0 [sflag:s12], $0x8000  }
0x8e: {  	[sflag:s12] =	ssyncset.done @!p0 $0x0  }
0x8f: {  	[sflag:s12] =	ssyncadd.s32 @!p0 $0xFFFF8000  }
0x90: {  	[tilespmem:s17], [sflag:$0x5] =	stream.linear.gather [hbm4b:s30+s1], $0x200, $0x38;
	[tilespmem:$0x10400] =	vst v63  }
0x91: {  	_ =	swait.ge [sflag:s9], $0x200  }
0x92: {  	s31 =	rddreg [dreg:$0x6];
	[sflag:s9] =	ssyncset.done $0x0  }
0x93: {  	s14 =	rddreg [dreg:$0x4];
	[sflag:s9] =	ssyncadd.s32 $0xFFFFFE00  }
0x94: {  	[tilespmem:s18], [sflag:$0x2] =	stream.indirect.gather [hbm4b:s4+s10], $0x40, s17, s10, $0xb8;
	[tilespmem:$0x10400] =	vst v63  }
0x95: {  	s15 =	rddreg [dreg:$0x5]  }
0x96: {  	[tilespmem:s15], [sflag:$0x2] =	stream.indirect.gather [hbm4b:s4+s10], $0x40, s14, s10, $0xb8;
	[tilespmem:$0x10400] =	vst v63  }
0x97: {  	s13 =	rddreg [dreg:$0x7]  }
0x98: {  	[tilespmem:s13], [sflag:$0x2] =	stream.indirect.gather [hbm4b:s4+s10], $0x40, s31, s10, $0xb8;
	[tilespmem:$0x10400] =	vst v63  }
0x99: {  	_ = 	snop  }
0x9a: {  	[tilespmem:s20], [sflag:$0x2] =	stream.indirect.gather [hbm4b:s4+s10], $0x40, s19, s10, $0xb8;
	[tilespmem:$0x10400] =	vst v63  }
0x9b: {  	_ =	swait.ge [sflag:s21], $0x2000  }
0x9c: {  	[sflag:s21] =	ssyncset.done $0x0  }
0x9d: {  	[sflag:s21] =	ssyncadd.s32 $0xFFFFE000  }
0x9e: {  	_ =	swait.ge [sflag:s21], $0x2000  }
0x9f: {  	[sflag:s21] =	ssyncset.done $0x0  }
0xa0: {  	[sflag:s21] =	ssyncadd.s32 $0xFFFFE000  }
0xa1: {  	_ =	swait.ge [sflag:s21], $0x2000  }
0xa2: {  	[sflag:s21] =	ssyncset.done $0x0  }
0xa3: {  	[sflag:s21] =	ssyncadd.s32 $0xFFFFE000  }
0xa4: {  	_ =	swait.ge [sflag:s21], $0x2000  }
0xa5: {  	p0 =	seq.s32 s28, $0x3180000;
	s30 =	rddreg [dreg:$0x2];
	[sflag:s21] =	ssyncset.done $0x0  }
0xa6: {  	s2 =	simm.s32 @!p0 $0x3;
	[sflag:s21] =	ssyncadd.s32 $0xFFFFE000;
	s0 =	sadd.s32 s28, s30  }
0xa7: {  	[hbm4b:s0+s22] =	stream.strided.scatter [tilespmem:s11], [sflag:$0x3], $0x8000, s10, s22, $0x38;
	[tilespmem:$0x10400] =	vst v63  }
0xa8: {  	_ =	swait.ge @!p0 [sflag:s2], $0x8000  }
0xa9: {  	s12 =	simm.s32 @!p0 $0x0;
	s0 =	sshrl.u32 @!p0 s29, $0x3;
	[sflag:s2] =	ssyncset.done @!p0 $0x0  }
0xaa: {  	s0 =	sadd.s32 @!p0 s3, s0;
	[sflag:s2] =	ssyncadd.s32 @!p0 $0xFFFF8000;
	s2 =	simm.s32 @!p0 $0x5  }
0xab: {  	[tilespmem:s12], [sflag:$0x5] =	stream.linear.gather @!p0 [hbm4b:s0+s12], $0x200, $0x38;
	[tilespmem:$0x10400] =	vst v63  }
0xac: {  	_ =	swait.ge @!p0 [sflag:s2], $0x200  }
0xad: {  	[sflag:s2] =	ssyncset.done @!p0 $0x0  }
0xae: {  	s13 =	simm.s32 @!p0 $0x400;
	s0 =	simm.s32 @!p0 $0x80;
	[sflag:s2] =	ssyncadd.s32 @!p0 $0xFFFFFE00  }
0xaf: {  	[tilespmem:s13], [sflag:$0x1] =	stream.indirect.gather @!p0 [hbm4b:s4+s0], $0x40, s12, s0, $0xb8;
	[tilespmem:$0x10400] =	vst v63  }
0xb0: {  	s2 =	simm.s32 @!p0 $0x2400  }
0xb1: {  	[tilespmem:s2], [sflag:$0x1] =	stream.indirect.gather @!p0 [hbm4b:s4+s0], $0x40, s0, s0, $0xb8;
	[tilespmem:$0x10400] =	vst v63  }
0xb2: {  	s12 =	simm.s32 @!p0 $0x4400;
	s2 =	simm.s32 @!p0 $0x100  }
0xb3: {  	[tilespmem:s12], [sflag:$0x1] =	stream.indirect.gather @!p0 [hbm4b:s4+s0], $0x40, s2, s0, $0xb8;
	[tilespmem:$0x10400] =	vst v63  }
0xb4: {  	s2 =	simm.s32 @!p0 $0x180;
	s12 =	simm.s32 @!p0 $0x6400  }
0xb5: {  	[tilespmem:s12], [sflag:$0x1] =	stream.indirect.gather @!p0 [hbm4b:s4+s0], $0x40, s2, s0, $0xb8;
	[tilespmem:$0x10400] =	vst v63  }
0xb6: {  	_ =	swait.ge [sflag:s23], $0x2000  }
0xb7: {  	[sflag:s23] =	ssyncset.done $0x0  }
0xb8: {  	[sflag:s23] =	ssyncadd.s32 $0xFFFFE000  }
0xb9: {  	_ =	swait.ge [sflag:s23], $0x2000  }
0xba: {  	[sflag:s23] =	ssyncset.done $0x0  }
0xbb: {  	[sflag:s23] =	ssyncadd.s32 $0xFFFFE000  }
0xbc: {  	_ =	swait.ge [sflag:s23], $0x2000  }
0xbd: {  	[sflag:s23] =	ssyncset.done $0x0  }
0xbe: {  	[sflag:s23] =	ssyncadd.s32 $0xFFFFE000  }
0xbf: {  	_ =	swait.ge [sflag:s23], $0x2000  }
0xc0: {  	s31 =	rddreg [dreg:$0x3];
	[sflag:s23] =	ssyncset.done $0x0  }
0xc1: {  	s26 =	sadd.s32 $0x1, s26;
	[sflag:s23] =	ssyncadd.s32 $0xFFFFE000;
	s0 =	sadd.s32 s28, s31  }
0xc2: {  	[hbm4b:s0+s22] =	stream.strided.scatter [tilespmem:s18], [sflag:$0x4], $0x8000, s10, s22, $0x38;
	[tilespmem:$0x10400] =	vst v63  }
0xc3: {  	p0 =	sne.s32 s26, s6;
	_ =	swait.ge [sflag:s24], $0x8000  }
.Ltmp1:
0xc4: {  	[sflag:s24] =	ssyncset.done $0x0;
	(pc) =	sbr.rel @p0 .LBB2_1-.Ltmp1, $4  }
0xc5: {  	[sflag:s24] =	ssyncadd.s32 $0xFFFF8000  }
0xc6: {  	_ =	swait.ge [sflag:s25], $0x8000  }
0xc7: {  	[sflag:s25] =	ssyncset.done $0x0  }
0xc8: {  	[sflag:s25] =	ssyncadd.s32 $0xFFFF8000  }
0xc9: {  	_ =	sfence.sel $0x180000  }
0xca: {  	[bflag:$0x0] =	sbarrier.arrive $0xFFFF  }
0xcb: {  	_ =	strace $0x90000047  }
0xcc: {  	s0 =	stileid.u32;
	[bflag:$0x2] =	sbarrier.arrive $0xFFFF  }
0xcd: {  	p0 =	sne.s32 s0, $0x0;
	s0 =	rddreg [dreg:$0x1]  }
0xce: {  	s0 =	sadd.s32 @!p0 $0x100000, s0  }
0xcf: {  	[sflag:s0] =	ssyncadd.tile.s32 @!p0 $0x1;
	_ =	shalt  }
.Lfunc_end2:
_tile_overlayer_lowered:
.L_overlay_start_2:
0xd0: {  	(tag) =	ssettag $0x2  }
0xd1: {  	s0 =	rddreg [dreg:$0x0];
	s2 =	stileid.u32  }
0xd2: {  	s1 =	rddreg [dreg:$0x1];
	p0 =	sne.s32 s2, $0x0  }
0xd3: {  	s3 =	rddreg [dreg:$0x2];
	[bflag:$0x3] =	sbarrier.arrive $0xFFFF;
	s2 =	simm.s32 @!p0 $0x1C05  }
0xd4: {  	[timem:s3], [sflag:s2] =	dma.local @!p0 [hbm:s0], s1  }
0xd5: {  	s0 =	simm.s32 @!p0 $0x5  }
0xd6: {  	_ =	swait.ge @!p0 [sflag:s0], s1  }
0xd7: {  	s1 =	ssub.s32 @!p0 $0x0, s1;
	[sflag:s0] =	ssyncset.done @!p0 $0x0  }
0xd8: {  	[sflag:s0] =	ssyncadd.s32 @!p0 s1  }
0xd9: {  	[bflag:$0x3] =	sbarrier.arrive $0xFFFF  }
0xda: {  	_ =	shalt  }

// kernel: sparse-core-data-format-call.cloned.1.call-start
scs
called_computation_lowered:
.L_overlay_start_0:
0x0: {  	s2 =	sld [smem:$0x3FD9]  }
0x1: {  	s3 =	sld [smem:$0x3FFE];
	_ =	sdelay $0x1  }
0x2: {  	s1 =	srdreg.scid  }
0x3: {  	s0 =	sand.u32 $0x1, s1  }
0x4: {  	s18 =	sshll.u32 s0, $0xA;
	s2 =	sadd.s32 s3, s2  }
0x5: {  	s2 =	sadd.s32 s2, s18  }
0x6: {  	[smem:$0x3FC6] =	sst s2  }
0x7: {  	_ = 	snop  }
0x8: {  	s2 =	sld [smem:$0x3FD0];
	(tm) =	ssettm $0x1  }
0x9: {  	s19 =	sld [smem:$0x3FFB];
	_ =	sdelay $0x3  }
0xa: {  	_ =	strace s19  }
0xb: {  	s3 =	sld [smem:$0x3FFC];
	_ =	sdelay $0x3  }
0xc: {  	_ =	strace s3  }
0xd: {  	s3 =	sld [smem:$0x3FFD];
	_ =	sdelay $0x3  }
0xe: {  	_ =	strace s3  }
0xf: {  	_ =	strace $0x8FFFFFFF  }
0x10: {  	s20 =	sld [smem:$0x3FDB];
	_ =	sdelay $0x1  }
0x11: {  	s4 =	simm.s32 $_scs_section_size  }
0x12: {  	s5 =	simm.s32 $_size__tile_overlayer_lowered;
	s6 =	simm.s32 $_tile_overlayer_lowered  }
0x13: {  	s23 =	simm.s32 $0x1BFF;
	s22 =	sshll.u32 s6, $0x1;
	s3 =	sadd.s32 s4, s20  }
0x14: {  	s7 =	simm.s32 $0x0;
	s21 =	sshll.u32 s5, $0x1;
	s5 =	sadd.s32 s22, s3  }
0x15: {  	[timem:s7], [sflag:s23] =	dma.local [hbm:s5], s21  }
0x16: {  	_ =	swait.ge [sflag:s23], s21  }
0x17: {  	s4 =	ssub.s32 $0x0, s21;
	[sflag:s23] =	ssyncset.done $0x0  }
0x18: {  	[sflag:s23] =	ssyncadd.s32 s4;
	_ =	sdelay $0x1  }
0x19: {  	s24 =	simm.s32 $0x1B8B  }
0x1a: {  	_ =	swait.ge [sflag:s24], $0x1  }
0x1b: {  	[sflag:s24] =	ssyncset.done $0x0  }
0x1c: {  	s26 =	simm.s32 $0x1B8E;
	s25 =	sld [smem:$0x3FFE];
	[sflag:s24] =	ssyncadd.s32 $0xFFFFFFFF  }
0x1d: {  	s27 =	simm.s32 $execute0_lowered;
	[smem:$0x3FD2] =	sst s26  }
0x1e: {  	s5 =	sshll.u32 s27, $0x1;
	_ =	strace $0x80000049;
	[dreg:$0x1] =	wrdreg $0xFFFFFFFF  }
0x1f: {  	s28 =	simm.s32 $_size_execute0_lowered;
	s3 =	sadd.s32 s3, s5;
	[dreg:$0x0] =	wrdreg $0x0  }
0x20: {  	s5 =	sshll.u32 s28, $0x1;
	[dreg:$0x2] =	wrdreg s3  }
0x21: {  	[dreg:$0x3] =	wrdreg s5  }
0x22: {  	[dreg:$0x4] =	wrdreg $0xC0  }
0x23: {  	_ =	task [dreg:s7], $0x5FFFF  }
0x24: {  	[dreg:$0x1] =	wrdreg $0xFFFFFFFF  }
0x25: {  	[dreg:$0x0] =	wrdreg $0x60  }
0x26: {  	[dreg:$0x2] =	wrdreg s25  }
0x27: {  	[dreg:$0x3] =	wrdreg s2  }
0x28: {  	[dreg:$0x4] =	wrdreg $0x9  }
0x29: {  	_ =	task.clear_ibuf [dreg:s7], $0x5FFFF;
	_ =	strace $0x90000049  }
0x2a: {  	s29 =	simm.s32 $0x9;
	_ =	strace $0x8000004B  }
0x2b: {  	_ =	swait.ge [sflag:s29], $0x1  }
0x2c: {  	[sflag:s29] =	ssyncadd.s32 $0xFFFFFFFF  }
0x2d: {  	_ =	strace $0x9000004B  }
0x2e: {  	_ =	sfence  }
0x2f: {  	s30 =	sld [smem:$0x0];
	_ =	sdelay $0x2  }
0x30: {  	s31 =	sshll.u32 s1, $0xD;
	s1 =	sshrl.u32 s1, $0x2  }
0x31: {  	s3 =	sand.u32 $0x4000, s31;
	s1 =	sadd.s32 s1, s30  }
0x32: {  	s0 =	sor.u32 s3, s0;
	s1 =	sshll.u32 s1, $0x11  }
0x33: {  	s0 =	sor.u32 s1, s0  }
0x34: {  	s0 =	sadd.s32 $0x8F2B, s0  }
0x35: {  	[sflag:s0] =	ssyncadd.remote.s32 $0x1  }
0x36: {  	_ =	sfence.sel $0xFFFF  }
0x37: {  	[dreg:$0x0] =	wrdreg $0xFFFFFFFF;
	(pc) =	sbr.abs _section_cstart, $3  }
0x38: {  	[dreg:$0x1] =	wrdreg $0xFFFFFFFF  }
0x39: {  	_ =	task.clear_ibuf [dreg:s7], $0x2FFFF;
	_ =	strace $0x9FFFFFFF  }
0x3a: {  	(tm) =	ssettm $0x7FFFFFFF  }
0x3b: {  	_ =	shalt  }
tec
execute0_lowered:
.L_overlay_start_1:
0x0: {  	(tag) =	ssettag $0x1  }
0x1: {  	s0 =	srdreg.scid  }
0x2: {  	s1 =	sshll.u32 s0, $0x4  }
0x3: {  	s0 =	stileid.u32;
	s1 =	sand.u32 $0x10, s1  }
0x4: {  	s7 =	rddreg [dreg:$0x0];
	s1 =	sor.u32 s0, s1  }
0x5: {  	s4 =	simm.s32 $0x1;
	s8 =	simm.s32 $0x2;
	s2 =	sshll.u32 s1, $0x7  }
0x6: {  	s13 =	simm.s32 $0x0;
	s9 =	simm.s32 $0x20000;
	s1 =	ssub.s32 $0x4000, s2  }
0x7: {  	s14 =	simm.s32 $0x0;
	s11 =	simm.s32 $0x0;
	s3 =	sand.u32 $0xF80, s1  }
0x8: {  	s12 =	simm.s32 $0x0;
	s5 =	sshrl.u32 s1, $0xC;
	p0 =	sne.s32 s3, $0x0  }
.Ltmp0:
0x9: {  	s1 =	rddreg [dreg:$0x2];
	s4 =	simm.s32 @!p0 $0x0;
	(pc) =	sbr.rel .LBB1_1-.Ltmp0, $4  }
0xa: {  	s6 =	sadd.s32 $0x805A00, s7;
	s3 =	rddreg [dreg:$0x1];
	s5 =	sadd.s32 s4, s5  }
0xb: {  	_ =	strace $0x8000004A;
	s4 =	simm.s32 $0x1;
	s5 =	smul.u32 $0x64, s5  }
0xc: {  	s7 =	sadd.s32 $0x845A00, s7;
	s10 =	smov.u32 s2;
	[sflag:s4] =	ssyncpa.u1 $0x0  }
0xd: {  	p0 =	por $0x0, $0x0;
	[sflag:s8] =	ssyncpa.u1 $0x0;
	s8 =	sor.u32 $0x1, s5  }
.LBB1_7:
0xe: {  	s15 =	sadd.s32 $0x1000, s10  }
0xf: {  	s13 =	sadd.s32 $0x2, s11;
	s17 =	smov.u32 s11;
	p2 =	sgt.s32 s15, $0x3FFF  }
0x10: {  	s17 =	smov.u32 @p2 s13  }
0x11: {  	s15 =	smov.u32 @p2 s2;
	p2 =	sgt.s32 s17, $0xC7  }
0x12: {  	s17 =	simm.s32 @p2 $0x0;
	p2 =	sne.s32 s12, s8  }
.Ltmp1:
0x13: {  	p1 =	slt.u32 s12, $0x2;
	(pc) =	sbr.rel @!p2 .LBB1_8-.Ltmp1, $4  }
0x14: {  	s16 =	simm.s32 @!p1 $0x2  }
0x15: {  	s14 =	smov.u32 s11;
	p0 =	por !p0, !p0;
	_ =	swait.ge @!p1 [sflag:s16], $0x4000  }
0x16: {  	s13 =	smov.u32 s10;
	[sflag:s16] =	ssyncset.done @!p1 $0x0;
	s10 =	smov.u32 s15  }
0x17: {  	s12 =	sadd.s32 $0x1, s12;
	[sflag:s16] =	ssyncadd.s32 @!p1 $0xFFFFC000;
	s11 =	smov.u32 s17  }
.LBB1_1:
0x18: {  	p1 =	sge.u32 s12, s5  }
0x19: {  	s15 =	sxor.u32 @!p1 $0xFFFFFFFF, s12;
	s16 =	sshll.u32 @!p1 s11, $0x12  }
0x1a: {  	s17 =	sshll.u32 @!p1 s10, $0x4;
	s19 =	simm.s32 @!p1 $0x40;
	s20 =	simm.s32 @!p1 $0x80  }
0x1b: {  	s15 =	sshll.u32 @!p1 s15, $0xE;
	s17 =	sand.u32 @!p1 $0x3FFF0, s17;
	s18 =	sadd.s32 @!p1 s6, s16  }
0x1c: {  	s16 =	sadd.s32 @!p1 s16, s7;
	s15 =	sand.u32 @!p1 $0x4000, s15;
	s18 =	sadd.s32 @!p1 s17, s18  }
0x1d: {  	[tilespmem:s15], [sflag:$0x1] =	stream.strided.gather @!p1 [hbm4b:s18+s19], $0x2000, s20, s19, $0x38;
	[tilespmem:$0x10100] =	vst v63  }
0x1e: {  	s31 =	sadd.s32 $0xFFFFFFFF, s12;
	s16 =	sadd.s32 @!p1 s17, s16;
	s15 =	sor.u32 @!p1 $0x2000, s15  }
0x1f: {  	[tilespmem:s15], [sflag:$0x1] =	stream.strided.gather @!p1 [hbm4b:s16+s19], $0x2000, s20, s19, $0x38;
	[tilespmem:$0x10100] =	vst v63  }
0x20: {  	p1 =	sge.u32 s31, s5  }
.Ltmp2:
0x21: {  	_ = 	snop;
	(pc) =	sbr.rel @p1 .LBB1_7-.Ltmp2, $1  }
0x22: {  	_ =	sdelay $0x3  }
0x23: {  	s15 =	simm.s32 $0x1;
	s17 =	sand.u32 $0x1, s12  }
0x24: {  	_ =	swait.ge [sflag:s4], $0x4000;
	s15 =	simm.s32 @!p0 $0x0;
	s17 =	smul.u32 $0x10200, s17  }
0x25: {  	p2 =	por $0x1, $0x1;
	[sflag:s4] =	ssyncset.done $0x0;
	s16 =	smul.u32 $0x10200, s15  }
0x26: {  	s18 =	sshll.u32 s15, $0x10;
	[sflag:s4] =	ssyncadd.s32 $0xFFFFC000;
	s30 =	sshrl.u32 s17, $0x2  }
0x27: {  	s31 =	sshrl.u32 s18, $0x2;
	s18 =	simm.s32 $0x0;
	s16 =	sshrl.u32 s16, $0x2  }
0x28: {  	s15 =	sor.u32 $0x8000, s30;
	s17 =	sadd.s32 $0x20, s31;
	s16 =	sor.u32 $0x8000, s16  }
.LBB1_3:
0x29: {  	s19 =	sshll.u32 s18, $0xD  }
0x2a: {  	s19 =	sand.u32 $0x3FFFE000, s19  }
0x2b: {  	s21 =	sadd.s32 s19, s17  }
0x2c: {  	s31 =	smul.u32 $0x8100, s18;
	v3 =	vld [tilespmem:s21+$0x10]  }
0x2d: {  	v1 =	vld [tilespmem:s21+$0xFFFFFFF0]  }
0x2e: {  	s18 =	sshra.s32 s31, $0x2;
	v0 =	vld [tilespmem:s21+$0x0]  }
0x2f: {  	s18 =	sadd.s32 s18, s16;
	v2 =	vld [tilespmem:s21+$0xFFFFFFE0]  }
0x30: {  	s19 =	sadd.s32 $0x0, s18  }
0x31: {  	p1 =	por p2, p2;
	s20 =	simm.s32 $0x4;
	s21 =	sadd.s32 $0x40, s21;
	[tilespmem:s19+$0x1830 ss:$0x81] =	vst.msk $0xffff, v3  }
.LBB1_4:
0x32: {  	v3 =	vld [tilespmem:s21+$0x10];
	p2 =	sne.s32 s20, $0x1FC;
	[tilespmem:s19+$0x810 ss:$0x81] =	vst.msk $0xffff, v1;
	s22 =	smov.u32 s20;
	s20 =	sadd.s32 $0x4, s20  }
.Ltmp3:
0x33: {  	v1 =	vld [tilespmem:s21+$0xFFFFFFF0];
	[tilespmem:s19+$0x1020 ss:$0x81] =	vst.msk $0xffff, v0;
	(pc) =	sbr.rel @p2 .LBB1_4-.Ltmp3, $4  }
0x34: {  	v0 =	vld [tilespmem:s21+$0x0];
	[tilespmem:s19+$0x0 ss:$0x81] =	vst.msk $0xffff, v2  }
0x35: {  	s19 =	sshra.s32 s22, $0x2;
	v2 =	vld [tilespmem:s21+$0xFFFFFFE0]  }
0x36: {  	s19 =	sadd.s32 s19, s18  }
0x37: {  	s21 =	sadd.s32 $0x40, s21;
	[tilespmem:s19+$0x1830 ss:$0x81] =	vst.msk $0xffff, v3  }
.Ltmp4:
0x38: {  	(pc) =	sbr.rel @p1 .LBB1_3-.Ltmp4, $4  }
0x39: {  	_ = 	snop  }
0x3a: {  	[tilespmem:s19+$0x810 ss:$0x81] =	vst.msk $0xffff, v1  }
0x3b: {  	[tilespmem:s19+$0x1020 ss:$0x81] =	vst.msk $0xffff, v0  }
0x3c: {  	s18 =	simm.s32 $0x1;
	p2 =	por $0x0, $0x0;
	[tilespmem:s19+$0x0 ss:$0x81] =	vst.msk $0xffff, v2  }
0x3d: {  	s16 =	sshll.u32 s13, $0x3;
	s17 =	sand.u32 $0x78, s13;
	s14 =	sshll.u32 s14, $0x11  }
.Ltmp5:
0x3e: {  	s30 =	sand.u32 $0x1F800, s13;
	s16 =	sand.u32 $0x3C00, s16;
	(pc) =	sbr.rel .LBB1_7-.Ltmp5, $4  }
0x3f: {  	s31 =	sand.u32 $0x7, s13;
	s14 =	sadd.s32 s3, s14;
	s16 =	sor.u32 s17, s16  }
0x40: {  	s13 =	sshll.u32 s31, $0x12;
	s14 =	sadd.s32 s30, s14;
	s16 =	sshrl.u32 s16, $0x3  }
0x41: {  	s13 =	sor.u32 $0x400, s13;
	s14 =	sadd.s32 s16, s14  }
0x42: {  	[hbm4b:s14+s13] =	stream.strided.scatter [tilespmem:s15], [sflag:$0x2], $0x4000, s9, s13, $0x20;
	[tilespmem:$0x10100] =	vst v63  }
.LBB1_8:
0x43: {  	_ =	sfence.sel $0x180000  }
0x44: {  	s2 =	simm.s32 $0x1;
	[bflag:$0x0] =	sbarrier.arrive $0xFFFF  }
0x45: {  	s31 =	simm.s32 $0x2;
	[sflag:s2] =	ssyncpa.u1 $0x1  }
0x46: {  	[sflag:s31] =	ssyncpa.u1 $0x1  }
0x47: {  	p0 =	sne.s32 s0, $0x0;
	_ =	strace $0x9000004A  }
0x48: {  	s0 =	sadd.s32 @!p0 $0x100000, s1;
	[bflag:$0x2] =	sbarrier.arrive $0xFFFF  }
0x49: {  	[sflag:s0] =	ssyncadd.tile.s32 @!p0 $0x1;
	_ =	shalt  }
.Lfunc_end1:
_tile_overlayer_lowered:
.L_overlay_start_2:
0x4a: {  	(tag) =	ssettag $0x2  }
0x4b: {  	s0 =	rddreg [dreg:$0x0];
	s2 =	stileid.u32  }
0x4c: {  	s1 =	rddreg [dreg:$0x1];
	p0 =	sne.s32 s2, $0x0  }
0x4d: {  	s3 =	rddreg [dreg:$0x2];
	[bflag:$0x3] =	sbarrier.arrive $0xFFFF;
	s2 =	simm.s32 @!p0 $0x1C01  }
0x4e: {  	[timem:s3], [sflag:s2] =	dma.local @!p0 [hbm:s0], s1  }
0x4f: {  	s0 =	simm.s32 @!p0 $0x1  }
0x50: {  	_ =	swait.ge @!p0 [sflag:s0], s1  }
0x51: {  	s1 =	ssub.s32 @!p0 $0x0, s1;
	[sflag:s0] =	ssyncset.done @!p0 $0x0  }
0x52: {  	[sflag:s0] =	ssyncadd.s32 @!p0 s1  }
0x53: {  	[bflag:$0x3] =	sbarrier.arrive $0xFFFF  }
0x54: {  	_ =	shalt  }

</sc_bundles>
